<compile_context>
chip_gen: v7x
topology: tpu7x:2x2x1
jax: 0.10.2.dev20260603
libtpu: 0.0.44.dev20260713+nightly
codegen_flags: <defaults>
</compile_context>

<pallas_src>
import jax
import jax.numpy as jnp
from jax.experimental import pallas as pl

K = 20
EPS = 1e-5


def _leaky(x):
    return jnp.where(x >= 0, x, 0.2 * x)


def _bn(x, axes):
    m = jnp.mean(x, axis=axes, keepdims=True)
    v = jnp.var(x, axis=axes, keepdims=True)
    return (x - m) / jnp.sqrt(v + EPS)


def _knn(x, k):
    inner = -2.0 * jnp.matmul(jnp.transpose(x, (0, 2, 1)), x)
    xx = jnp.sum(x ** 2, axis=1, keepdims=True)
    pairwise_distance = -xx - inner - jnp.transpose(xx, (0, 2, 1))
    idx = jax.lax.top_k(pairwise_distance, k)[1]
    return idx


def _get_graph_feature(x, k):
    B, C, N = x.shape
    idx = _knn(x, k)
    x_t = jnp.transpose(x, (0, 2, 1))
    feat = jax.vmap(lambda xt, id_: xt[id_])(x_t, idx)
    center = jnp.broadcast_to(x_t[:, :, None, :], (B, N, k, C))
    out = jnp.concatenate([feat - center, center], axis=3)
    return jnp.transpose(out, (0, 3, 1, 2))


def _conv2d(w, x):
    return jnp.einsum('oc,bcnk->bonk', w, x)


def _conv1d(w, x):
    return jnp.einsum('oc,bcn->bon', w, x)


def _transform_net(x0, t_conv1_w, t_conv2_w, t_conv3_w, t_lin1_w, t_lin2_w, t_transform_w, t_transform_b):
    B = x0.shape[0]
    x = _leaky(_bn(_conv2d(t_conv1_w, x0), (0, 2, 3)))
    x = _leaky(_bn(_conv2d(t_conv2_w, x), (0, 2, 3)))
    x = jnp.max(x, axis=-1)
    x = _leaky(_bn(_conv1d(t_conv3_w, x), (0, 2)))
    x = jnp.max(x, axis=-1)
    x = _leaky(_bn(x @ t_lin1_w.T, (0,)))
    x = _leaky(_bn(x @ t_lin2_w.T, (0,)))
    x = x @ t_transform_w.T + t_transform_b
    return x.reshape(B, 3, 3)


def _inv_head_kernel(feat_ref, w1_ref, b1_ref, w2_ref, b2_ref, out_ref):
    feat = feat_ref[...]
    inv = jnp.dot(feat, w1_ref[...].T, preferred_element_type=jnp.float32) + b1_ref[...]
    m = jnp.mean(inv, axis=0, keepdims=True)
    v = jnp.mean((inv - m) ** 2, axis=0, keepdims=True)
    inv = jnp.maximum((inv - m) / jnp.sqrt(v + EPS), 0.0)
    out_ref[...] = jnp.dot(inv, w2_ref[...].T, preferred_element_type=jnp.float32) + b2_ref[...]


def kernel(x, t_conv1_w, t_conv2_w, t_conv3_w, t_lin1_w, t_lin2_w, t_transform_w, t_transform_b,
           conv1_w, conv2_w, conv3_w, conv4_w, conv5_w, conv6_w, inv1_w, inv1_b, inv2_w, inv2_b):
    x0 = _get_graph_feature(x, K)
    t = _transform_net(x0, t_conv1_w, t_conv2_w, t_conv3_w, t_lin1_w, t_lin2_w, t_transform_w, t_transform_b)
    x = jnp.transpose(jnp.matmul(jnp.transpose(x, (0, 2, 1)), t), (0, 2, 1))
    h = _get_graph_feature(x, K)
    h = _leaky(_bn(_conv2d(conv1_w, h), (0, 2, 3)))
    h = _leaky(_bn(_conv2d(conv2_w, h), (0, 2, 3)))
    x1 = jnp.max(h, axis=-1)
    h = _get_graph_feature(x1, K)
    h = _leaky(_bn(_conv2d(conv3_w, h), (0, 2, 3)))
    h = _leaky(_bn(_conv2d(conv4_w, h), (0, 2, 3)))
    x2 = jnp.max(h, axis=-1)
    h = _get_graph_feature(x2, K)
    h = _leaky(_bn(_conv2d(conv5_w, h), (0, 2, 3)))
    x3 = jnp.max(h, axis=-1)
    h = jnp.concatenate([x1, x2, x3], axis=1)
    h = _leaky(_bn(_conv1d(conv6_w, h), (0, 2)))
    feat = jnp.max(h, axis=-1)
    inv = pl.pallas_call(
        _inv_head_kernel,
        out_shape=jax.ShapeDtypeStruct((feat.shape[0], 256), jnp.float32),
    )(feat, inv1_w, inv1_b, inv2_w, inv2_b)
    return (feat, inv, feat)

# --- scband reference (transcript-rebuilt; emitter-appended) ---
"""Pipeline reference for scband-dgcnn-partseg-18897856102405 (READ-ONLY COPY).

The authoritative reference and input builder live on the scoring server;
editing this copy changes nothing except your own understanding.
"""

import jax, jax.numpy as jnp
import numpy as np

K = 20
EPS = 1e-5


def leaky(x):
    return jnp.where(x >= 0, x, 0.2 * x)


def bn(x, axes):
    m = jnp.mean(x, axis=axes, keepdims=True)
    v = jnp.var(x, axis=axes, keepdims=True)
    return (x - m) / jnp.sqrt(v + EPS)


def knn(x, k):
    # x: [B, C, N]
    inner = -2.0 * jnp.matmul(jnp.transpose(x, (0, 2, 1)), x)
    xx = jnp.sum(x ** 2, axis=1, keepdims=True)
    pairwise_distance = -xx - inner - jnp.transpose(xx, (0, 2, 1))
    idx = jax.lax.top_k(pairwise_distance, k)[1]  # [B, N, k]
    return idx


def get_graph_feature(x, k):
    B, C, N = x.shape
    idx = knn(x, k)
    x_t = jnp.transpose(x, (0, 2, 1))  # [B, N, C]
    feat = jax.vmap(lambda xt, id_: xt[id_])(x_t, idx)  # [B, N, k, C]
    center = jnp.broadcast_to(x_t[:, :, None, :], (B, N, k, C))
    out = jnp.concatenate([feat - center, center], axis=3)
    return jnp.transpose(out, (0, 3, 1, 2))  # [B, 2C, N, k]


def conv2d(w, x):
    return jnp.einsum('oc,bcnk->bonk', w, x)


def conv1d(w, x):
    return jnp.einsum('oc,bcn->bon', w, x)


def transform_net(x0, t_conv1_w, t_conv2_w, t_conv3_w, t_lin1_w, t_lin2_w, t_transform_w, t_transform_b):
    B = x0.shape[0]
    x = leaky(bn(conv2d(t_conv1_w, x0), (0, 2, 3)))
    x = leaky(bn(conv2d(t_conv2_w, x), (0, 2, 3)))
    x = jnp.max(x, axis=-1)  # [B, 128, N]
    x = leaky(bn(conv1d(t_conv3_w, x), (0, 2)))
    x = jnp.max(x, axis=-1)  # [B, 1024]
    x = leaky(bn(x @ t_lin1_w.T, (0,)))
    x = leaky(bn(x @ t_lin2_w.T, (0,)))
    x = x @ t_transform_w.T + t_transform_b
    return x.reshape(B, 3, 3)


def setup_inputs(seed: int = 0) -> dict:
    key = jax.random.key(seed)
    ks = jax.random.split(key, 20)
    def w(k_, shape, fan_in):
        return jax.random.normal(k_, shape, dtype=jnp.float32) * (1.0 / np.sqrt(fan_in))
    inp = {}
    inp['x'] = jax.random.normal(ks[0], (8, 3, 2048), dtype=jnp.float32)
    # Transform_Net params
    inp['t_conv1_w'] = w(ks[1], (64, 6), 6)
    inp['t_conv2_w'] = w(ks[2], (128, 64), 64)
    inp['t_conv3_w'] = w(ks[3], (1024, 128), 128)
    inp['t_lin1_w'] = w(ks[4], (512, 1024), 1024)
    inp['t_lin2_w'] = w(ks[5], (256, 512), 512)
    inp['t_transform_w'] = jnp.zeros((9, 256), dtype=jnp.float32)
    inp['t_transform_b'] = jnp.eye(3, dtype=jnp.float32).reshape(9)
    # Main network conv params (1x1 convs, no bias)
    inp['conv1_w'] = w(ks[6], (64, 6), 6)
    inp['conv2_w'] = w(ks[7], (64, 64), 64)
    inp['conv3_w'] = w(ks[8], (64, 128), 128)
    inp['conv4_w'] = w(ks[9], (64, 64), 64)
    inp['conv5_w'] = w(ks[10], (64, 128), 128)
    inp['conv6_w'] = w(ks[11], (1024, 192), 192)
    # inv_head
    inp['inv1_w'] = w(ks[12], (1024, 1024), 1024)
    inp['inv1_b'] = jnp.zeros((1024,), dtype=jnp.float32)
    inp['inv2_w'] = w(ks[13], (256, 1024), 1024)
    inp['inv2_b'] = jnp.zeros((256,), dtype=jnp.float32)
    return inp


def reference(x, t_conv1_w, t_conv2_w, t_conv3_w, t_lin1_w, t_lin2_w, t_transform_w, t_transform_b,
              conv1_w, conv2_w, conv3_w, conv4_w, conv5_w, conv6_w, inv1_w, inv1_b, inv2_w, inv2_b):
    x0 = get_graph_feature(x, K)  # [B, 6, N, k]
    t = transform_net(x0, t_conv1_w, t_conv2_w, t_conv3_w, t_lin1_w, t_lin2_w, t_transform_w, t_transform_b)
    x = jnp.transpose(jnp.matmul(jnp.transpose(x, (0, 2, 1)), t), (0, 2, 1))  # [B, 3, N]
    h = get_graph_feature(x, K)
    h = leaky(bn(conv2d(conv1_w, h), (0, 2, 3)))
    h = leaky(bn(conv2d(conv2_w, h), (0, 2, 3)))
    x1 = jnp.max(h, axis=-1)  # [B, 64, N]
    h = get_graph_feature(x1, K)
    h = leaky(bn(conv2d(conv3_w, h), (0, 2, 3)))
    h = leaky(bn(conv2d(conv4_w, h), (0, 2, 3)))
    x2 = jnp.max(h, axis=-1)
    h = get_graph_feature(x2, K)
    h = leaky(bn(conv2d(conv5_w, h), (0, 2, 3)))
    x3 = jnp.max(h, axis=-1)
    h = jnp.concatenate([x1, x2, x3], axis=1)  # [B, 192, N]
    h = leaky(bn(conv1d(conv6_w, h), (0, 2)))
    feat = jnp.max(h, axis=-1)  # [B, 1024]
    inv = feat @ inv1_w.T + inv1_b
    inv = jax.nn.relu(bn(inv, (0,)))
    inv = inv @ inv2_w.T + inv2_b  # [B, 256]
    return (feat, inv, feat)

if __name__ == "__main__":
    import jax
    _d = setup_inputs()
    print(jax.jit(kernel)(*tuple(_d.values())))

</pallas_src>

<mosaic_0001>
module attributes {stable_mosaic.version = 14 : i64} {
  func.func @_inv_head_kernel(%arg0: memref<8x1024xf32, #tpu.memory_space<vmem>>, %arg1: memref<1024x1024xf32, #tpu.memory_space<vmem>>, %arg2: memref<1024xf32, #tpu.memory_space<vmem>>, %arg3: memref<256x1024xf32, #tpu.memory_space<vmem>>, %arg4: memref<256xf32, #tpu.memory_space<vmem>>, %arg5: memref<8x256xf32, #tpu.memory_space<vmem>>) attributes {dimension_semantics = [], scalar_prefetch = 0 : i64, scratch_operands = 0 : i64, tpu.core_type = #tpu.core_type<tc>} {
    %get3A = arith.constant 0 : index
    %get3A_0 = arith.constant 0 : index
    %get3A_1 = vector.load %arg0[%get3A, %get3A_0] : memref<8x1024xf32, #tpu.memory_space<vmem>>, vector<8x1024xf32>
    %get3A_2 = arith.constant 0 : index
    %get3A_3 = arith.constant 0 : index
    %get3A_4 = vector.load %arg1[%get3A_2, %get3A_3] : memref<1024x1024xf32, #tpu.memory_space<vmem>>, vector<1024x1024xf32>
    %transpose3A = tpu.transpose %get3A_4, [1, 0] : vector<1024x1024xf32> -> vector<1024x1024xf32>
    %dot_general3A = arith.constant dense<0.000000e+00> : vector<8x1024xf32>
    %dot_general3A_5 = tpu.matmul %get3A_1, %transpose3A, %dot_general3A {dimension_numbers = #tpu.dot_dimension_numbers<[1], [0], [0], [1], [0, 0, 1, 1], [], []>, transpose_lhs_hint = false} : vector<8x1024xf32>, vector<1024x1024xf32>, vector<8x1024xf32> -> vector<8x1024xf32>
    %get3A_6 = arith.constant 0 : index
    %get3A_7 = vector.load %arg2[%get3A_6] : memref<1024xf32, #tpu.memory_space<vmem>>, vector<1024xf32>
    %broadcast_in_dim3A = vector.shape_cast %get3A_7 : vector<1024xf32> to vector<1x1024xf32>
    %add3A = vector.broadcast %broadcast_in_dim3A : vector<1x1024xf32> to vector<8x1024xf32>
    %add3A_8 = arith.addf %dot_general3A_5, %add3A : vector<8x1024xf32>
    %reduce_sum3A = arith.constant dense<0.000000e+00> : vector<1024xf32>
    %reduce_sum3A_9 = vector.multi_reduction <add>, %add3A_8, %reduce_sum3A [0] : vector<8x1024xf32> to vector<1024xf32>
    %broadcast_in_dim3A_10 = vector.shape_cast %reduce_sum3A_9 : vector<1024xf32> to vector<1x1024xf32>
    %div3A = arith.constant 8.000000e+00 : f32
    %div3A_11 = vector.broadcast %div3A : f32 to vector<1x1024xf32>
    %div3A_12 = arith.divf %broadcast_in_dim3A_10, %div3A_11 : vector<1x1024xf32>
    %sub3A = vector.broadcast %div3A_12 : vector<1x1024xf32> to vector<8x1024xf32>
    %sub3A_13 = arith.subf %add3A_8, %sub3A : vector<8x1024xf32>
    %integer_pow3A = arith.mulf %sub3A_13, %sub3A_13 : vector<8x1024xf32>
    %reduce_sum3A_14 = arith.constant dense<0.000000e+00> : vector<1024xf32>
    %reduce_sum3A_15 = vector.multi_reduction <add>, %integer_pow3A, %reduce_sum3A_14 [0] : vector<8x1024xf32> to vector<1024xf32>
    %broadcast_in_dim3A_16 = vector.shape_cast %reduce_sum3A_15 : vector<1024xf32> to vector<1x1024xf32>
    %div3A_17 = arith.constant 8.000000e+00 : f32
    %div3A_18 = vector.broadcast %div3A_17 : f32 to vector<1x1024xf32>
    %div3A_19 = arith.divf %broadcast_in_dim3A_16, %div3A_18 : vector<1x1024xf32>
    %sub3A_20 = vector.broadcast %div3A_12 : vector<1x1024xf32> to vector<8x1024xf32>
    %sub3A_21 = arith.subf %add3A_8, %sub3A_20 : vector<8x1024xf32>
    %add3A_22 = arith.constant 9.99999974E-6 : f32
    %add3A_23 = vector.broadcast %add3A_22 : f32 to vector<1x1024xf32>
    %add3A_24 = arith.addf %div3A_19, %add3A_23 : vector<1x1024xf32>
    %sqrt3A = math.sqrt %add3A_24 : vector<1x1024xf32>
    %div3A_25 = vector.broadcast %sqrt3A : vector<1x1024xf32> to vector<8x1024xf32>
    %div3A_26 = arith.divf %sub3A_21, %div3A_25 : vector<8x1024xf32>
    %max3A = arith.constant 0.000000e+00 : f32
    %max3A_27 = vector.broadcast %max3A : f32 to vector<8x1024xf32>
    %max3A_28 = arith.maximumf %div3A_26, %max3A_27 : vector<8x1024xf32>
    %get3A_29 = arith.constant 0 : index
    %get3A_30 = arith.constant 0 : index
    %get3A_31 = vector.load %arg3[%get3A_29, %get3A_30] : memref<256x1024xf32, #tpu.memory_space<vmem>>, vector<256x1024xf32>
    %transpose3A_32 = tpu.transpose %get3A_31, [1, 0] : vector<256x1024xf32> -> vector<1024x256xf32>
    %dot_general3A_33 = arith.constant dense<0.000000e+00> : vector<8x256xf32>
    %dot_general3A_34 = tpu.matmul %max3A_28, %transpose3A_32, %dot_general3A_33 {dimension_numbers = #tpu.dot_dimension_numbers<[1], [0], [0], [1], [0, 0, 1, 1], [], []>, transpose_lhs_hint = false} : vector<8x1024xf32>, vector<1024x256xf32>, vector<8x256xf32> -> vector<8x256xf32>
    %get3A_35 = arith.constant 0 : index
    %get3A_36 = vector.load %arg4[%get3A_35] : memref<256xf32, #tpu.memory_space<vmem>>, vector<256xf32>
    %broadcast_in_dim3A_37 = vector.shape_cast %get3A_36 : vector<256xf32> to vector<1x256xf32>
    %add3A_38 = vector.broadcast %broadcast_in_dim3A_37 : vector<1x256xf32> to vector<8x256xf32>
    %add3A_39 = arith.addf %dot_general3A_34, %add3A_38 : vector<8x256xf32>
    %swap3A = arith.constant 0 : index
    %swap3A_40 = arith.constant 0 : index
    %swap3A_41 = vector.load %arg5[%swap3A, %swap3A_40] : memref<8x256xf32, #tpu.memory_space<vmem>>, vector<8x256xf32>
    tpu.vector_store %arg5[%swap3A, %swap3A_40], %add3A_39 {strides = array<i32>} : memref<8x256xf32, #tpu.memory_space<vmem>>, vector<8x256xf32>,
    return
  }
}

</mosaic_0001>

<sc_bundles>
// kernel: sparse-core-data-format-call.1.cloned.1.call-start
scs
called_computation.1_lowered:
.L_overlay_start_0:
0x0: {  	s1 =	sld [smem:$0x3FD9]  }
0x1: {  	s2 =	sld [smem:$0x3FFE];
	_ =	sdelay $0x1  }
0x2: {  	s3 =	srdreg.scid  }
0x3: {  	s0 =	sand.u32 $0x1, s3  }
0x4: {  	s17 =	sshll.u32 s0, $0xA;
	s1 =	sadd.s32 s2, s1  }
0x5: {  	s1 =	sadd.s32 s1, s17  }
0x6: {  	[smem:$0x3FB6] =	sst s1  }
0x7: {  	_ = 	snop  }
0x8: {  	(tm) =	ssettm $0x1  }
0x9: {  	s18 =	sld [smem:$0x3FFB];
	_ =	sdelay $0x3  }
0xa: {  	_ =	strace s18  }
0xb: {  	s1 =	sld [smem:$0x3FFC];
	_ =	sdelay $0x3  }
0xc: {  	_ =	strace s1  }
0xd: {  	s1 =	sld [smem:$0x3FFD];
	_ =	sdelay $0x3  }
0xe: {  	_ =	strace s1  }
0xf: {  	_ =	strace $0x8FFFFFFF  }
0x10: {  	s19 =	sld [smem:$0x3FDB];
	_ =	sdelay $0x1  }
0x11: {  	s20 =	simm.s32 $_scs_section_size  }
0x12: {  	s4 =	simm.s32 $_size__tile_overlayer_lowered;
	s5 =	simm.s32 $_tile_overlayer_lowered  }
0x13: {  	s23 =	simm.s32 $0x1BFF;
	s22 =	sshll.u32 s5, $0x1;
	s1 =	sadd.s32 s20, s19  }
0x14: {  	s6 =	simm.s32 $0x0;
	s21 =	sshll.u32 s4, $0x1;
	s4 =	sadd.s32 s22, s1  }
0x15: {  	[timem:s6], [sflag:s23] =	dma.local [hbm:s4], s21  }
0x16: {  	_ =	swait.ge [sflag:s23], s21  }
0x17: {  	s2 =	ssub.s32 $0x0, s21;
	[sflag:s23] =	ssyncset.done $0x0  }
0x18: {  	[sflag:s23] =	ssyncadd.s32 s2;
	_ =	sdelay $0x1  }
0x19: {  	s24 =	simm.s32 $0x1B8B  }
0x1a: {  	_ =	swait.ge [sflag:s24], $0x1  }
0x1b: {  	[sflag:s24] =	ssyncset.done $0x0  }
0x1c: {  	s26 =	simm.s32 $0x1B8E;
	s25 =	sld [smem:$0x3FFE];
	[sflag:s24] =	ssyncadd.s32 $0xFFFFFFFF  }
0x1d: {  	s27 =	simm.s32 $execute0_lowered;
	[smem:$0x3FD2] =	sst s26  }
0x1e: {  	s4 =	sshll.u32 s27, $0x1;
	_ =	strace $0x80000052;
	[dreg:$0x1] =	wrdreg $0xFFFFFFFF  }
0x1f: {  	s28 =	simm.s32 $_size_execute0_lowered;
	s1 =	sadd.s32 s1, s4;
	[dreg:$0x0] =	wrdreg $0x0  }
0x20: {  	s4 =	sshll.u32 s28, $0x1;
	[dreg:$0x2] =	wrdreg s1  }
0x21: {  	[dreg:$0x3] =	wrdreg s4  }
0x22: {  	[dreg:$0x4] =	wrdreg $0xC0  }
0x23: {  	_ =	task [dreg:s6], $0x5FFFF  }
0x24: {  	[dreg:$0x1] =	wrdreg $0xFFFFFFFF  }
0x25: {  	[dreg:$0x0] =	wrdreg $0x60  }
0x26: {  	[dreg:$0x2] =	wrdreg s25  }
0x27: {  	[dreg:$0x3] =	wrdreg $0x9  }
0x28: {  	_ =	task.clear_ibuf [dreg:s6], $0x4FFFF;
	_ =	strace $0x90000052  }
0x29: {  	s29 =	simm.s32 $0x9;
	_ =	strace $0x80000054  }
0x2a: {  	_ =	swait.ge [sflag:s29], $0x1  }
0x2b: {  	[sflag:s29] =	ssyncadd.s32 $0xFFFFFFFF  }
0x2c: {  	_ =	strace $0x90000054  }
0x2d: {  	_ =	sfence  }
0x2e: {  	s30 =	sld [smem:$0x0];
	_ =	sdelay $0x2  }
0x2f: {  	s31 =	sshll.u32 s3, $0xD;
	s3 =	sshrl.u32 s3, $0x2  }
0x30: {  	s2 =	sand.u32 $0x4000, s31;
	s1 =	sadd.s32 s3, s30  }
0x31: {  	s0 =	sor.u32 s2, s0;
	s1 =	sshll.u32 s1, $0x11  }
0x32: {  	s0 =	sor.u32 s1, s0  }
0x33: {  	s0 =	sadd.s32 $0x8F2B, s0  }
0x34: {  	[sflag:s0] =	ssyncadd.remote.s32 $0x1  }
0x35: {  	_ =	sfence.sel $0xFFFF  }
0x36: {  	[dreg:$0x0] =	wrdreg $0xFFFFFFFF;
	(pc) =	sbr.abs _section_cstart, $3  }
0x37: {  	[dreg:$0x1] =	wrdreg $0xFFFFFFFF  }
0x38: {  	_ =	task.clear_ibuf [dreg:s6], $0x2FFFF;
	_ =	strace $0x9FFFFFFF  }
0x39: {  	(tm) =	ssettm $0x7FFFFFFF  }
tec
execute0_lowered:
.L_overlay_start_1:
0x0: {  	(tag) =	ssettag $0x1  }
0x1: {  	s0 =	stileid.u32;
	s1 =	srdreg.scid  }
0x2: {  	s4 =	rddreg [dreg:$0x0];
	s7 =	simm.s32 $0x1;
	s31 =	simm.s32 $0x2  }
0x3: {  	s16 =	simm.s32 $0x0;
	s2 =	sshll.u32 s0, $0x4;
	s1 =	sshll.u32 s1, $0x8  }
0x4: {  	s9 =	simm.s32 $0x4000;
	s14 =	simm.s32 $0x0;
	s1 =	sor.u32 s2, s1  }
0x5: {  	s15 =	simm.s32 $0x0;
	s10 =	simm.s32 $0x0;
	s2 =	sand.u32 $0x180, s1  }
0x6: {  	s13 =	simm.s32 $0x0;
	s3 =	sadd.s32 $0x440000, s4;
	s5 =	ssub.s32 $0x800, s2  }
0x7: {  	s4 =	sadd.s32 $0x840000, s4;
	s1 =	rddreg [dreg:$0x1];
	s6 =	sand.u32 $0x180, s5  }
.Ltmp0:
0x8: {  	_ =	strace $0x80000053;
	p0 =	sne.s32 s6, $0x0;
	(pc) =	sbr.rel .LBB1_1-.Ltmp0, $4  }
0x9: {  	s11 =	smov.u32 s2;
	s8 =	sshrl.u32 s5, $0x9;
	s7 =	simm.s32 @!p0 $0x0  }
0xa: {  	s5 =	sand.u32 $0x7, s0;
	s6 =	simm.s32 $0x1;
	s7 =	sadd.s32 s7, s8  }
0xb: {  	s12 =	smov.u32 s5;
	[sflag:s6] =	ssyncpa.u1 $0x0;
	s7 =	sshll.u32 s7, $0x4  }
0xc: {  	p0 =	por $0x0, $0x0;
	[sflag:s31] =	ssyncpa.u1 $0x0;
	s8 =	sor.u32 $0x1, s7  }
.LBB1_4:
0xd: {  	v5 =	vld [tilespmem:s19+$0xFFFFFFD0]  }
0xe: {  	[tilespmem:s20+$0x2040 ss:$0x81] =	vst.msk $0xffff, v1;
	v58 =	vld [tilespmem:s19+$0xFFFFFFE0]  }
0xf: {  	[tilespmem:s20+$0x2850 ss:$0x81] =	vst.msk $0xffff, v2;
	v59 =	vld [tilespmem:s19+$0xFFFFFFF0]  }
0x10: {  	s21 =	sshra.s32 s21, $0x2;
	[tilespmem:s20+$0x3060 ss:$0x81] =	vst.msk $0xffff, v3;
	v60 =	vld [tilespmem:s19+$0x0]  }
0x11: {  	[tilespmem:s20+$0x0 ss:$0x81] =	vst.msk $0xffff, v0;
	v61 =	vld [tilespmem:s19+$0x10];
	s18 =	sadd.s32 s21, s18  }
0x12: {  	s26 =	sshll.u32 s16, $0xB;
	v62 =	vld [tilespmem:s19+$0x20];
	[tilespmem:s18+$0x3870 ss:$0x81] =	vst.msk $0xffff, v4  }
0x13: {  	s27 =	sand.u32 $0x78, s14;
	s22 =	sshll.u32 s14, $0x3;
	v63 =	vld [tilespmem:s19+$0xFFFFFFC0];
	s29 =	sshll.u32 s16, $0x7;
	[tilespmem:s18+$0x810 ss:$0x81] =	vst.msk $0xffff, v5  }
0x14: {  	s15 =	sshll.u32 s15, $0x13;
	s20 =	sand.u32 $0x3FC000, s26;
	s28 =	sand.u32 $0x3FFC00, s22;
	[tilespmem:s18+$0x1020 ss:$0x81] =	vst.msk $0xffff, v58  }
0x15: {  	s31 =	sand.u32 $0x7, s14;
	s22 =	sand.u32 $0x400, s22;
	s19 =	sadd.s32 s28, s20;
	[tilespmem:s18+$0x1830 ss:$0x81] =	vst.msk $0xffff, v59  }
0x16: {  	s16 =	sand.u32 $0x380, s29;
	s30 =	sor.u32 s27, s22;
	s19 =	sshrl.u32 s19, $0x3;
	[tilespmem:s18+$0x2040 ss:$0x81] =	vst.msk $0xffff, v60  }
0x17: {  	s15 =	sadd.s32 s4, s15;
	s16 =	sor.u32 s16, s30;
	s19 =	sand.u32 $0x7FF00, s19;
	[tilespmem:s18+$0x2850 ss:$0x81] =	vst.msk $0xffff, v61  }
0x18: {  	s14 =	sshll.u32 s31, $0x12;
	s16 =	sshrl.u32 s16, $0x3;
	[tilespmem:s18+$0x3060 ss:$0x81] =	vst.msk $0xffff, v62;
	s15 =	sadd.s32 s19, s15  }
0x19: {  	s14 =	sor.u32 $0x400, s14;
	[tilespmem:s18+$0x0 ss:$0x81] =	vst.msk $0xffff, v63;
	s15 =	sadd.s32 s16, s15  }
0x1a: {  	[hbm4b:s15+s14] =	stream.strided.scatter [tilespmem:s17], [sflag:$0x2], $0x4000, s9, s14, $0x20;
	[tilespmem:$0x10100] =	vst v63  }
.LBB1_5:
0x1b: {  	s17 =	sadd.s32 $0x80, s10  }
0x1c: {  	s14 =	sadd.s32 $0x200, s11;
	s18 =	smov.u32 s11;
	p2 =	sgt.s32 s17, $0x7FF  }
0x1d: {  	s18 =	smov.u32 @p2 s14  }
0x1e: {  	s20 =	smov.u32 s12;
	s14 =	sadd.s32 $0x8, s12;
	p3 =	sgt.s32 s18, $0x7FF  }
0x1f: {  	s20 =	smov.u32 @p3 s14  }
0x20: {  	s17 =	simm.s32 @p2 $0x0;
	p2 =	sgt.s32 s20, $0x7  }
0x21: {  	p1 =	slt.u32 s13, $0x2;
	s20 =	smov.u32 @p2 s5;
	p2 =	sne.s32 s13, s8  }
.Ltmp1:
0x22: {  	s19 =	simm.s32 @!p1 $0x2;
	(pc) =	sbr.rel @!p2 .LBB1_6-.Ltmp1, $4  }
0x23: {  	s16 =	smov.u32 s10;
	s15 =	smov.u32 s12;
	_ =	swait.ge @!p1 [sflag:s19], $0x4000  }
0x24: {  	p0 =	por !p0, !p0;
	[sflag:s19] =	ssyncset.done @!p1 $0x0;
	s10 =	smov.u32 s17  }
0x25: {  	s18 =	smov.u32 @p3 s2;
	s14 =	smov.u32 s11;
	[sflag:s19] =	ssyncadd.s32 @!p1 $0xFFFFC000  }
0x26: {  	s11 =	smov.u32 s18;
	s13 =	sadd.s32 $0x1, s13;
	s12 =	smov.u32 s20  }
.LBB1_1:
0x27: {  	p1 =	sge.u32 s13, s7;
	s31 =	sadd.s32 $0xFFFFFFFF, s13  }
0x28: {  	s17 =	sxor.u32 @!p1 $0xFFFFFFFF, s13;
	s18 =	sand.u32 @!p1 $0x78, s10;
	s19 =	sshll.u32 @!p1 s11, $0xB  }
0x29: {  	s20 =	sshll.u32 @!p1 s11, $0x7;
	s21 =	sshll.u32 @!p1 s10, $0x3;
	s17 =	sshll.u32 @!p1 s17, $0xE  }
0x2a: {  	s19 =	sand.u32 @!p1 $0x3FC000, s19;
	s20 =	sand.u32 @!p1 $0x380, s20;
	s17 =	sand.u32 @!p1 $0x4000, s17  }
0x2b: {  	s19 =	sadd.s32 @!p1 s19, s21;
	s21 =	sand.u32 @!p1 $0x400, s21;
	s18 =	sor.u32 @!p1 s20, s18  }
0x2c: {  	s20 =	sshll.u32 @!p1 s12, $0x13;
	s18 =	sor.u32 @!p1 s21, s18;
	s19 =	sshrl.u32 @!p1 s19, $0x3  }
0x2d: {  	s20 =	sadd.s32 @!p1 s3, s20;
	s21 =	sand.u32 @!p1 $0x7, s10;
	s19 =	sand.u32 @!p1 $0x7FF00, s19  }
0x2e: {  	s18 =	sshrl.u32 @!p1 s18, $0x3;
	s19 =	sadd.s32 @!p1 s19, s20;
	s20 =	sshll.u32 @!p1 s21, $0x12  }
0x2f: {  	s18 =	sadd.s32 @!p1 s18, s19;
	s19 =	sor.u32 @!p1 $0x400, s20;
	s20 =	simm.s32 @!p1 $0x4000  }
0x30: {  	[tilespmem:s17], [sflag:$0x1] =	stream.strided.gather @!p1 [hbm4b:s18+s19], $0x4000, s20, s19, $0x38;
	[tilespmem:$0x10100] =	vst v63  }
0x31: {  	p1 =	sge.u32 s31, s7  }
.Ltmp2:
0x32: {  	_ = 	snop;
	(pc) =	sbr.rel @p1 .LBB1_5-.Ltmp2, $1  }
0x33: {  	_ =	sdelay $0x3  }
0x34: {  	s17 =	simm.s32 $0x1  }
0x35: {  	_ =	swait.ge [sflag:s6], $0x4000;
	s17 =	simm.s32 @!p0 $0x0  }
0x36: {  	[sflag:s6] =	ssyncset.done $0x0;
	s18 =	sshll.u32 s17, $0xE  }
0x37: {  	[sflag:s6] =	ssyncadd.s32 $0xFFFFC000;
	s19 =	sor.u32 $0x40, s18  }
0x38: {  	s17 =	smul.u32 $0x10200, s17;
	v0 =	vld [tilespmem:s19+$0x30]  }
0x39: {  	v3 =	vld [tilespmem:s19+$0xFFFFFFD0]  }
0x3a: {  	s17 =	sshrl.u32 s17, $0x2;
	v4 =	vld [tilespmem:s19+$0xFFFFFFE0]  }
0x3b: {  	v5 =	vld [tilespmem:s19+$0xFFFFFFF0];
	s18 =	sor.u32 $0x8000, s17  }
0x3c: {  	s31 =	sand.u32 $0x1, s13;
	v1 =	vld [tilespmem:s19+$0x0];
	s20 =	sadd.s32 $0x0, s18  }
0x3d: {  	v2 =	vld [tilespmem:s19+$0x10];
	s17 =	smul.u32 $0x10200, s31;
	[tilespmem:s20+$0x3870 ss:$0x81] =	vst.msk $0xffff, v0  }
0x3e: {  	[tilespmem:s20+$0x810 ss:$0x81] =	vst.msk $0xffff, v3;
	v3 =	vld [tilespmem:s19+$0x20]  }
0x3f: {  	s17 =	sshrl.u32 s17, $0x2;
	v0 =	vld [tilespmem:s19+$0xFFFFFFC0];
	[tilespmem:s20+$0x1020 ss:$0x81] =	vst.msk $0xffff, v4;
	s19 =	sadd.s32 $0x80, s19  }
0x40: {  	s21 =	simm.s32 $0x4;
	s22 =	simm.s32 $0x8;
	s17 =	sor.u32 $0x8000, s17;
	[tilespmem:s20+$0x1830 ss:$0x81] =	vst.msk $0xffff, v5;
	v4 =	vld [tilespmem:s19+$0x30]  }
.LBB1_3:
0x41: {  	p1 =	sne.s32 s22, $0x1FC;
	v5 =	vld [tilespmem:s19+$0xFFFFFFD0];
	[tilespmem:s20+$0x2040 ss:$0x81] =	vst.msk $0xffff, v1  }
0x42: {  	v6 =	vld [tilespmem:s19+$0xFFFFFFE0];
	[tilespmem:s20+$0x2850 ss:$0x81] =	vst.msk $0xffff, v2  }
0x43: {  	s23 =	sshra.s32 s21, $0x2;
	s21 =	smov.u32 s22;
	v7 =	vld [tilespmem:s19+$0xFFFFFFF0];
	[tilespmem:s20+$0x3060 ss:$0x81] =	vst.msk $0xffff, v3  }
.Ltmp3:
0x44: {  	v1 =	vld [tilespmem:s19+$0x0];
	[tilespmem:s20+$0x0 ss:$0x81] =	vst.msk $0xffff, v0;
	s20 =	sadd.s32 s23, s18;
	(pc) =	sbr.rel @p1 .LBB1_3-.Ltmp3, $4  }
0x45: {  	v2 =	vld [tilespmem:s19+$0x10];
	[tilespmem:s20+$0x3870 ss:$0x81] =	vst.msk $0xffff, v4  }
0x46: {  	[tilespmem:s20+$0x810 ss:$0x81] =	vst.msk $0xffff, v5;
	v3 =	vld [tilespmem:s19+$0x20]  }
0x47: {  	v0 =	vld [tilespmem:s19+$0xFFFFFFC0];
	[tilespmem:s20+$0x1020 ss:$0x81] =	vst.msk $0xffff, v6;
	s19 =	sadd.s32 $0x80, s19  }
0x48: {  	s22 =	sadd.s32 $0x4, s22;
	v4 =	vld [tilespmem:s19+$0x30];
	[tilespmem:s20+$0x1830 ss:$0x81] =	vst.msk $0xffff, v7  }
.Ltmp4:
0x49: {  	_ = 	snop;
	(pc) =	sbr.rel .LBB1_4-.Ltmp4, $1  }
0x4a: {  	_ =	sdelay $0x3  }
.LBB1_6:
0x4b: {  	_ =	sfence.sel $0x180000  }
0x4c: {  	s2 =	simm.s32 $0x1;
	[bflag:$0x0] =	sbarrier.arrive $0xFFFF  }
0x4d: {  	s31 =	simm.s32 $0x2;
	[sflag:s2] =	ssyncpa.u1 $0x1  }
0x4e: {  	[sflag:s31] =	ssyncpa.u1 $0x1  }
0x4f: {  	p0 =	sne.s32 s0, $0x0;
	_ =	strace $0x90000053  }
0x50: {  	s0 =	sadd.s32 @!p0 $0x100000, s1;
	[bflag:$0x2] =	sbarrier.arrive $0xFFFF  }
0x51: {  	[sflag:s0] =	ssyncadd.tile.s32 @!p0 $0x1;
	_ =	shalt  }
.Lfunc_end1:
_tile_overlayer_lowered:
.L_overlay_start_2:
0x52: {  	(tag) =	ssettag $0x2  }
0x53: {  	s0 =	rddreg [dreg:$0x0];
	s2 =	stileid.u32  }
0x54: {  	s1 =	rddreg [dreg:$0x1];
	p0 =	sne.s32 s2, $0x0  }
0x55: {  	s3 =	rddreg [dreg:$0x2];
	[bflag:$0x3] =	sbarrier.arrive $0xFFFF;
	s2 =	simm.s32 @!p0 $0x1C01  }
0x56: {  	[timem:s3], [sflag:s2] =	dma.local @!p0 [hbm:s0], s1  }
0x57: {  	s0 =	simm.s32 @!p0 $0x1  }
0x58: {  	_ =	swait.ge @!p0 [sflag:s0], s1  }
0x59: {  	s1 =	ssub.s32 @!p0 $0x0, s1;
	[sflag:s0] =	ssyncset.done @!p0 $0x0  }
0x5a: {  	[sflag:s0] =	ssyncadd.s32 @!p0 s1  }
0x5b: {  	[bflag:$0x3] =	sbarrier.arrive $0xFFFF  }
0x5c: {  	_ =	shalt  }

// kernel: sparse-core-data-format-call.2.cloned.1.call-start
scs
called_computation.2_lowered:
.L_overlay_start_0:
0x0: {  	s1 =	sld [smem:$0x3FD9]  }
0x1: {  	s2 =	sld [smem:$0x3FFE];
	_ =	sdelay $0x1  }
0x2: {  	s3 =	srdreg.scid  }
0x3: {  	s0 =	sand.u32 $0x1, s3  }
0x4: {  	s17 =	sshll.u32 s0, $0xA;
	s1 =	sadd.s32 s2, s1  }
0x5: {  	s1 =	sadd.s32 s1, s17  }
0x6: {  	[smem:$0x3FB6] =	sst s1  }
0x7: {  	_ = 	snop  }
0x8: {  	(tm) =	ssettm $0x1  }
0x9: {  	s18 =	sld [smem:$0x3FFB];
	_ =	sdelay $0x3  }
0xa: {  	_ =	strace s18  }
0xb: {  	s1 =	sld [smem:$0x3FFC];
	_ =	sdelay $0x3  }
0xc: {  	_ =	strace s1  }
0xd: {  	s1 =	sld [smem:$0x3FFD];
	_ =	sdelay $0x3  }
0xe: {  	_ =	strace s1  }
0xf: {  	_ =	strace $0x8FFFFFFF  }
0x10: {  	s19 =	sld [smem:$0x3FDB];
	_ =	sdelay $0x1  }
0x11: {  	s20 =	simm.s32 $_scs_section_size  }
0x12: {  	s4 =	simm.s32 $_size__tile_overlayer_lowered;
	s5 =	simm.s32 $_tile_overlayer_lowered  }
0x13: {  	s23 =	simm.s32 $0x1BFF;
	s22 =	sshll.u32 s5, $0x1;
	s1 =	sadd.s32 s20, s19  }
0x14: {  	s6 =	simm.s32 $0x0;
	s21 =	sshll.u32 s4, $0x1;
	s4 =	sadd.s32 s22, s1  }
0x15: {  	[timem:s6], [sflag:s23] =	dma.local [hbm:s4], s21  }
0x16: {  	_ =	swait.ge [sflag:s23], s21  }
0x17: {  	s2 =	ssub.s32 $0x0, s21;
	[sflag:s23] =	ssyncset.done $0x0  }
0x18: {  	[sflag:s23] =	ssyncadd.s32 s2;
	_ =	sdelay $0x1  }
0x19: {  	s24 =	simm.s32 $0x1B8B  }
0x1a: {  	_ =	swait.ge [sflag:s24], $0x1  }
0x1b: {  	[sflag:s24] =	ssyncset.done $0x0  }
0x1c: {  	s26 =	simm.s32 $0x1B8E;
	s25 =	sld [smem:$0x3FFE];
	[sflag:s24] =	ssyncadd.s32 $0xFFFFFFFF  }
0x1d: {  	s27 =	simm.s32 $execute0_lowered;
	[smem:$0x3FD2] =	sst s26  }
0x1e: {  	s4 =	sshll.u32 s27, $0x1;
	_ =	strace $0x8000004F;
	[dreg:$0x1] =	wrdreg $0xFFFFFFFF  }
0x1f: {  	s28 =	simm.s32 $_size_execute0_lowered;
	s1 =	sadd.s32 s1, s4;
	[dreg:$0x0] =	wrdreg $0x0  }
0x20: {  	s4 =	sshll.u32 s28, $0x1;
	[dreg:$0x2] =	wrdreg s1  }
0x21: {  	[dreg:$0x3] =	wrdreg s4  }
0x22: {  	[dreg:$0x4] =	wrdreg $0xC0  }
0x23: {  	_ =	task [dreg:s6], $0x5FFFF  }
0x24: {  	[dreg:$0x1] =	wrdreg $0xFFFFFFFF  }
0x25: {  	[dreg:$0x0] =	wrdreg $0x60  }
0x26: {  	[dreg:$0x2] =	wrdreg s25  }
0x27: {  	[dreg:$0x3] =	wrdreg $0x9  }
0x28: {  	_ =	task.clear_ibuf [dreg:s6], $0x4FFFF;
	_ =	strace $0x9000004F  }
0x29: {  	s29 =	simm.s32 $0x9;
	_ =	strace $0x80000051  }
0x2a: {  	_ =	swait.ge [sflag:s29], $0x1  }
0x2b: {  	[sflag:s29] =	ssyncadd.s32 $0xFFFFFFFF  }
0x2c: {  	_ =	strace $0x90000051  }
0x2d: {  	_ =	sfence  }
0x2e: {  	s30 =	sld [smem:$0x0];
	_ =	sdelay $0x2  }
0x2f: {  	s31 =	sshll.u32 s3, $0xD;
	s3 =	sshrl.u32 s3, $0x2  }
0x30: {  	s2 =	sand.u32 $0x4000, s31;
	s1 =	sadd.s32 s3, s30  }
0x31: {  	s0 =	sor.u32 s2, s0;
	s1 =	sshll.u32 s1, $0x11  }
0x32: {  	s0 =	sor.u32 s1, s0  }
0x33: {  	s0 =	sadd.s32 $0x8F2B, s0  }
0x34: {  	[sflag:s0] =	ssyncadd.remote.s32 $0x1  }
0x35: {  	_ =	sfence.sel $0xFFFF  }
0x36: {  	[dreg:$0x0] =	wrdreg $0xFFFFFFFF;
	(pc) =	sbr.abs _section_cstart, $3  }
0x37: {  	[dreg:$0x1] =	wrdreg $0xFFFFFFFF  }
0x38: {  	_ =	task.clear_ibuf [dreg:s6], $0x2FFFF;
	_ =	strace $0x9FFFFFFF  }
0x39: {  	(tm) =	ssettm $0x7FFFFFFF  }
tec
execute0_lowered:
.L_overlay_start_1:
0x0: {  	(tag) =	ssettag $0x1  }
0x1: {  	s0 =	stileid.u32;
	s1 =	srdreg.scid  }
0x2: {  	s4 =	rddreg [dreg:$0x0];
	s2 =	sshll.u32 s0, $0x4;
	s1 =	sshll.u32 s1, $0x8  }
0x3: {  	s5 =	simm.s32 $0x1;
	s8 =	simm.s32 $0x2;
	s1 =	sor.u32 s2, s1  }
0x4: {  	s14 =	simm.s32 $0x0;
	s9 =	simm.s32 $0x4000;
	s2 =	sand.u32 $0x180, s1  }
0x5: {  	s15 =	simm.s32 $0x0;
	s16 =	simm.s32 $0x0;
	s3 =	ssub.s32 $0x800, s2  }
0x6: {  	s10 =	simm.s32 $0x0;
	s7 =	sand.u32 $0x7, s0;
	s31 =	sand.u32 $0x180, s3  }
0x7: {  	s13 =	simm.s32 $0x0;
	s12 =	smov.u32 s7;
	p0 =	sne.s32 s31, $0x0  }
.Ltmp0:
0x8: {  	s6 =	sshrl.u32 s3, $0x9;
	s5 =	simm.s32 @!p0 $0x0;
	(pc) =	sbr.rel .LBB1_1-.Ltmp0, $4  }
0x9: {  	s1 =	rddreg [dreg:$0x1];
	_ =	strace $0x80000050;
	s6 =	sadd.s32 s5, s6  }
0xa: {  	s11 =	smov.u32 s2;
	s5 =	simm.s32 $0x1;
	s6 =	smul.u32 $0x14, s6  }
0xb: {  	s3 =	sadd.s32 $0x940000, s4;
	s4 =	sadd.s32 $0x440000, s4;
	[sflag:s5] =	ssyncpa.u1 $0x0  }
0xc: {  	p0 =	por $0x0, $0x0;
	[sflag:s8] =	ssyncpa.u1 $0x0;
	s8 =	sor.u32 $0x1, s6  }
.LBB1_4:
0xd: {  	s16 =	smul.u32 $0x50000, s16  }
0xe: {  	s19 =	sshll.u32 s15, $0x3;
	s20 =	sand.u32 $0x78, s15;
	s30 =	sand.u32 $0x3F00, s15  }
0xf: {  	s14 =	sshll.u32 s14, $0xE;
	s19 =	sand.u32 $0x400, s19;
	s16 =	sadd.s32 s4, s16  }
0x10: {  	[tilespmem:s18+$0x810 ss:$0x81] =	vst.msk $0xffff, v2;
	s31 =	sand.u32 $0x7, s15;
	s19 =	sor.u32 s20, s19;
	s16 =	sadd.s32 s30, s16  }
0x11: {  	[tilespmem:s18+$0x1020 ss:$0x81] =	vst.msk $0xffff, v0;
	s15 =	sshll.u32 s31, $0x12;
	s19 =	sshrl.u32 s19, $0x3;
	s14 =	sadd.s32 s14, s16  }
0x12: {  	[tilespmem:s18+$0x0 ss:$0x81] =	vst.msk $0xffff, v1;
	s15 =	sor.u32 $0x400, s15;
	s14 =	sadd.s32 s19, s14  }
0x13: {  	[hbm4b:s14+s15] =	stream.strided.scatter [tilespmem:s17], [sflag:$0x2], $0x2000, s9, s15, $0x20;
	[tilespmem:$0x8080] =	vst v63  }
.LBB1_5:
0x14: {  	s17 =	sadd.s32 $0x1, s10  }
0x15: {  	s14 =	sadd.s32 $0x200, s11;
	s18 =	smov.u32 s11;
	p2 =	sgt.s32 s17, $0x13  }
0x16: {  	s18 =	smov.u32 @p2 s14  }
0x17: {  	s20 =	smov.u32 s12;
	s14 =	sadd.s32 $0x8, s12;
	p3 =	sgt.s32 s18, $0x7FF  }
0x18: {  	s20 =	smov.u32 @p3 s14  }
0x19: {  	s17 =	simm.s32 @p2 $0x0;
	p2 =	sgt.s32 s20, $0x7  }
0x1a: {  	p1 =	slt.u32 s13, $0x2;
	s20 =	smov.u32 @p2 s7;
	p2 =	sne.s32 s13, s8  }
.Ltmp1:
0x1b: {  	s19 =	simm.s32 @!p1 $0x2;
	(pc) =	sbr.rel @!p2 .LBB1_6-.Ltmp1, $4  }
0x1c: {  	s15 =	smov.u32 s11;
	s16 =	smov.u32 s12;
	_ =	swait.ge @!p1 [sflag:s19], $0x2000  }
0x1d: {  	p0 =	por !p0, !p0;
	[sflag:s19] =	ssyncset.done @!p1 $0x0;
	s18 =	smov.u32 @p3 s2  }
0x1e: {  	s14 =	smov.u32 s10;
	[sflag:s19] =	ssyncadd.s32 @!p1 $0xFFFFE000;
	s10 =	smov.u32 s17  }
0x1f: {  	s11 =	smov.u32 s18;
	s13 =	sadd.s32 $0x1, s13;
	s12 =	smov.u32 s20  }
.LBB1_1:
0x20: {  	p1 =	sge.u32 s13, s6  }
0x21: {  	s17 =	sand.u32 @!p1 $0x1FFFFFF, s10;
	s19 =	smul.u32 @!p1 $0xC0000, s12  }
0x22: {  	s18 =	smulhi.u32 @!p1 $0xAAAAAAB, s17  }
0x23: {  	s21 =	smul.u32 @!p1 $0x180, s11  }
0x24: {  	s18 =	smul.u32 @!p1 $0x18, s18  }
0x25: {  	s31 =	sadd.s32 $0xFFFFFFFF, s13;
	s19 =	sadd.s32 @!p1 s3, s19  }
0x26: {  	s20 =	sxor.u32 @!p1 $0xFFFFFFFF, s13;
	s19 =	sadd.s32 @!p1 s21, s19;
	s17 =	ssub.s32 @!p1 s17, s18  }
0x27: {  	s18 =	sshll.u32 @!p1 s20, $0xD;
	s20 =	simm.s32 @!p1 $0xC00;
	s17 =	sshll.u32 @!p1 s17, $0x4  }
0x28: {  	s18 =	sand.u32 @!p1 $0x2000, s18;
	s17 =	sadd.s32 @!p1 s17, s19;
	s19 =	simm.s32 @!p1 $0x40  }
0x29: {  	[tilespmem:s18], [sflag:$0x1] =	stream.strided.gather @!p1 [hbm4b:s17+s19], $0x2000, s20, s19, $0x38;
	[tilespmem:$0x8080] =	vst v63  }
0x2a: {  	p1 =	sge.u32 s31, s6  }
.Ltmp2:
0x2b: {  	_ = 	snop;
	(pc) =	sbr.rel @p1 .LBB1_5-.Ltmp2, $1  }
0x2c: {  	_ =	sdelay $0x3  }
0x2d: {  	s17 =	simm.s32 $0x1  }
0x2e: {  	_ =	swait.ge [sflag:s5], $0x2000;
	s17 =	simm.s32 @!p0 $0x0  }
0x2f: {  	[sflag:s5] =	ssyncset.done $0x0;
	s18 =	sshll.u32 s17, $0xD  }
0x30: {  	[sflag:s5] =	ssyncadd.s32 $0xFFFFE000;
	s21 =	sor.u32 $0x20, s18  }
0x31: {  	s17 =	smul.u32 $0x8100, s17;
	v3 =	vld [tilespmem:s21+$0x10]  }
0x32: {  	s30 =	sand.u32 $0x1, s13;
	v2 =	vld [tilespmem:s21+$0xFFFFFFF0]  }
0x33: {  	s18 =	smul.u32 $0x8100, s30;
	s17 =	sshrl.u32 s17, $0x2;
	v0 =	vld [tilespmem:s21+$0x0]  }
0x34: {  	v1 =	vld [tilespmem:s21+$0xFFFFFFE0];
	s19 =	sor.u32 $0x4000, s17  }
0x35: {  	s31 =	sshrl.u32 s18, $0x2;
	s18 =	sadd.s32 $0x0, s19  }
0x36: {  	s20 =	simm.s32 $0x4;
	s21 =	sadd.s32 $0x40, s21;
	s17 =	sor.u32 $0x4000, s31;
	[tilespmem:s18+$0x1830 ss:$0x81] =	vst.msk $0xffff, v3  }
.LBB1_3:
0x37: {  	v3 =	vld [tilespmem:s21+$0x10];
	p1 =	sne.s32 s20, $0x1FC;
	[tilespmem:s18+$0x810 ss:$0x81] =	vst.msk $0xffff, v2;
	s22 =	smov.u32 s20;
	s20 =	sadd.s32 $0x4, s20  }
.Ltmp3:
0x38: {  	v2 =	vld [tilespmem:s21+$0xFFFFFFF0];
	[tilespmem:s18+$0x1020 ss:$0x81] =	vst.msk $0xffff, v0;
	(pc) =	sbr.rel @p1 .LBB1_3-.Ltmp3, $4  }
0x39: {  	v0 =	vld [tilespmem:s21+$0x0];
	[tilespmem:s18+$0x0 ss:$0x81] =	vst.msk $0xffff, v1  }
0x3a: {  	s18 =	sshra.s32 s22, $0x2;
	v1 =	vld [tilespmem:s21+$0xFFFFFFE0]  }
0x3b: {  	s18 =	sadd.s32 s18, s19  }
0x3c: {  	s21 =	sadd.s32 $0x40, s21;
	[tilespmem:s18+$0x1830 ss:$0x81] =	vst.msk $0xffff, v3  }
.Ltmp4:
0x3d: {  	_ = 	snop;
	(pc) =	sbr.rel .LBB1_4-.Ltmp4, $1  }
0x3e: {  	_ =	sdelay $0x3  }
.LBB1_6:
0x3f: {  	_ =	sfence.sel $0x180000  }
0x40: {  	s2 =	simm.s32 $0x1;
	[bflag:$0x0] =	sbarrier.arrive $0xFFFF  }
0x41: {  	s31 =	simm.s32 $0x2;
	[sflag:s2] =	ssyncpa.u1 $0x1  }
0x42: {  	[sflag:s31] =	ssyncpa.u1 $0x1  }
0x43: {  	p0 =	sne.s32 s0, $0x0;
	_ =	strace $0x90000050  }
0x44: {  	s0 =	sadd.s32 @!p0 $0x100000, s1;
	[bflag:$0x2] =	sbarrier.arrive $0xFFFF  }
0x45: {  	[sflag:s0] =	ssyncadd.tile.s32 @!p0 $0x1;
	_ =	shalt  }
.Lfunc_end1:
_tile_overlayer_lowered:
.L_overlay_start_2:
0x46: {  	(tag) =	ssettag $0x2  }
0x47: {  	s0 =	rddreg [dreg:$0x0];
	s2 =	stileid.u32  }
0x48: {  	s1 =	rddreg [dreg:$0x1];
	p0 =	sne.s32 s2, $0x0  }
0x49: {  	s3 =	rddreg [dreg:$0x2];
	[bflag:$0x3] =	sbarrier.arrive $0xFFFF;
	s2 =	simm.s32 @!p0 $0x1C01  }
0x4a: {  	[timem:s3], [sflag:s2] =	dma.local @!p0 [hbm:s0], s1  }
0x4b: {  	s0 =	simm.s32 @!p0 $0x1  }
0x4c: {  	_ =	swait.ge @!p0 [sflag:s0], s1  }
0x4d: {  	s1 =	ssub.s32 @!p0 $0x0, s1;
	[sflag:s0] =	ssyncset.done @!p0 $0x0  }
0x4e: {  	[sflag:s0] =	ssyncadd.s32 @!p0 s1  }
0x4f: {  	[bflag:$0x3] =	sbarrier.arrive $0xFFFF  }
0x50: {  	_ =	shalt  }

// kernel: sparse-core-data-format-call.3.cloned.1.call-start
scs
called_computation.3_lowered:
.L_overlay_start_0:
0x0: {  	s1 =	sld [smem:$0x3FD9]  }
0x1: {  	s2 =	sld [smem:$0x3FFE];
	_ =	sdelay $0x1  }
0x2: {  	s3 =	srdreg.scid  }
0x3: {  	s0 =	sand.u32 $0x1, s3  }
0x4: {  	s17 =	sshll.u32 s0, $0xA;
	s1 =	sadd.s32 s2, s1  }
0x5: {  	s1 =	sadd.s32 s1, s17  }
0x6: {  	[smem:$0x3FB6] =	sst s1  }
0x7: {  	_ = 	snop  }
0x8: {  	(tm) =	ssettm $0x1  }
0x9: {  	s18 =	sld [smem:$0x3FFB];
	_ =	sdelay $0x3  }
0xa: {  	_ =	strace s18  }
0xb: {  	s1 =	sld [smem:$0x3FFC];
	_ =	sdelay $0x3  }
0xc: {  	_ =	strace s1  }
0xd: {  	s1 =	sld [smem:$0x3FFD];
	_ =	sdelay $0x3  }
0xe: {  	_ =	strace s1  }
0xf: {  	_ =	strace $0x8FFFFFFF  }
0x10: {  	s19 =	sld [smem:$0x3FDB];
	_ =	sdelay $0x1  }
0x11: {  	s20 =	simm.s32 $_scs_section_size  }
0x12: {  	s4 =	simm.s32 $_size__tile_overlayer_lowered;
	s5 =	simm.s32 $_tile_overlayer_lowered  }
0x13: {  	s23 =	simm.s32 $0x1BFF;
	s22 =	sshll.u32 s5, $0x1;
	s1 =	sadd.s32 s20, s19  }
0x14: {  	s6 =	simm.s32 $0x0;
	s21 =	sshll.u32 s4, $0x1;
	s4 =	sadd.s32 s22, s1  }
0x15: {  	[timem:s6], [sflag:s23] =	dma.local [hbm:s4], s21  }
0x16: {  	_ =	swait.ge [sflag:s23], s21  }
0x17: {  	s2 =	ssub.s32 $0x0, s21;
	[sflag:s23] =	ssyncset.done $0x0  }
0x18: {  	[sflag:s23] =	ssyncadd.s32 s2;
	_ =	sdelay $0x1  }
0x19: {  	s24 =	simm.s32 $0x1B8B  }
0x1a: {  	_ =	swait.ge [sflag:s24], $0x1  }
0x1b: {  	[sflag:s24] =	ssyncset.done $0x0  }
0x1c: {  	s26 =	simm.s32 $0x1B8E;
	s25 =	sld [smem:$0x3FFE];
	[sflag:s24] =	ssyncadd.s32 $0xFFFFFFFF  }
0x1d: {  	s27 =	simm.s32 $execute0_lowered;
	[smem:$0x3FD2] =	sst s26  }
0x1e: {  	s4 =	sshll.u32 s27, $0x1;
	_ =	strace $0x8000004C;
	[dreg:$0x1] =	wrdreg $0xFFFFFFFF  }
0x1f: {  	s28 =	simm.s32 $_size_execute0_lowered;
	s1 =	sadd.s32 s1, s4;
	[dreg:$0x0] =	wrdreg $0x0  }
0x20: {  	s4 =	sshll.u32 s28, $0x1;
	[dreg:$0x2] =	wrdreg s1  }
0x21: {  	[dreg:$0x3] =	wrdreg s4  }
0x22: {  	[dreg:$0x4] =	wrdreg $0xC0  }
0x23: {  	_ =	task [dreg:s6], $0x5FFFF  }
0x24: {  	[dreg:$0x1] =	wrdreg $0xFFFFFFFF  }
0x25: {  	[dreg:$0x0] =	wrdreg $0x60  }
0x26: {  	[dreg:$0x2] =	wrdreg s25  }
0x27: {  	[dreg:$0x3] =	wrdreg $0x9  }
0x28: {  	_ =	task.clear_ibuf [dreg:s6], $0x4FFFF;
	_ =	strace $0x9000004C  }
0x29: {  	s29 =	simm.s32 $0x9;
	_ =	strace $0x8000004E  }
0x2a: {  	_ =	swait.ge [sflag:s29], $0x1  }
0x2b: {  	[sflag:s29] =	ssyncadd.s32 $0xFFFFFFFF  }
0x2c: {  	_ =	strace $0x9000004E  }
0x2d: {  	_ =	sfence  }
0x2e: {  	s30 =	sld [smem:$0x0];
	_ =	sdelay $0x2  }
0x2f: {  	s31 =	sshll.u32 s3, $0xD;
	s3 =	sshrl.u32 s3, $0x2  }
0x30: {  	s2 =	sand.u32 $0x4000, s31;
	s1 =	sadd.s32 s3, s30  }
0x31: {  	s0 =	sor.u32 s2, s0;
	s1 =	sshll.u32 s1, $0x11  }
0x32: {  	s0 =	sor.u32 s1, s0  }
0x33: {  	s0 =	sadd.s32 $0x8F2B, s0  }
0x34: {  	[sflag:s0] =	ssyncadd.remote.s32 $0x1  }
0x35: {  	_ =	sfence.sel $0xFFFF  }
0x36: {  	[dreg:$0x0] =	wrdreg $0xFFFFFFFF;
	(pc) =	sbr.abs _section_cstart, $3  }
0x37: {  	[dreg:$0x1] =	wrdreg $0xFFFFFFFF  }
0x38: {  	_ =	task.clear_ibuf [dreg:s6], $0x2FFFF;
	_ =	strace $0x9FFFFFFF  }
0x39: {  	(tm) =	ssettm $0x7FFFFFFF  }
tec
execute0_lowered:
.L_overlay_start_1:
0x0: {  	(tag) =	ssettag $0x1  }
0x1: {  	s0 =	stileid.u32;
	s1 =	srdreg.scid  }
0x2: {  	s4 =	rddreg [dreg:$0x0];
	s7 =	simm.s32 $0x1;
	s31 =	simm.s32 $0x2  }
0x3: {  	s16 =	simm.s32 $0x0;
	s2 =	sshll.u32 s0, $0x4;
	s1 =	sshll.u32 s1, $0x8  }
0x4: {  	s9 =	simm.s32 $0x4000;
	s14 =	simm.s32 $0x0;
	s1 =	sor.u32 s2, s1  }
0x5: {  	s15 =	simm.s32 $0x0;
	s10 =	simm.s32 $0x0;
	s2 =	sand.u32 $0x180, s1  }
0x6: {  	s13 =	simm.s32 $0x0;
	s3 =	sadd.s32 $0x440000, s4;
	s5 =	ssub.s32 $0x800, s2  }
0x7: {  	s4 =	sadd.s32 $0x840000, s4;
	s1 =	rddreg [dreg:$0x1];
	s6 =	sand.u32 $0x180, s5  }
.Ltmp0:
0x8: {  	_ =	strace $0x8000004D;
	p0 =	sne.s32 s6, $0x0;
	(pc) =	sbr.rel .LBB1_1-.Ltmp0, $4  }
0x9: {  	s11 =	smov.u32 s2;
	s8 =	sshrl.u32 s5, $0x9;
	s7 =	simm.s32 @!p0 $0x0  }
0xa: {  	s5 =	sand.u32 $0x7, s0;
	s6 =	simm.s32 $0x1;
	s7 =	sadd.s32 s7, s8  }
0xb: {  	s12 =	smov.u32 s5;
	[sflag:s6] =	ssyncpa.u1 $0x0;
	s7 =	sshll.u32 s7, $0x4  }
0xc: {  	p0 =	por $0x0, $0x0;
	[sflag:s31] =	ssyncpa.u1 $0x0;
	s8 =	sor.u32 $0x1, s7  }
.LBB1_4:
0xd: {  	v5 =	vld [tilespmem:s19+$0xFFFFFFD0]  }
0xe: {  	[tilespmem:s20+$0x2040 ss:$0x81] =	vst.msk $0xffff, v1;
	v58 =	vld [tilespmem:s19+$0xFFFFFFE0]  }
0xf: {  	[tilespmem:s20+$0x2850 ss:$0x81] =	vst.msk $0xffff, v2;
	v59 =	vld [tilespmem:s19+$0xFFFFFFF0]  }
0x10: {  	s21 =	sshra.s32 s21, $0x2;
	[tilespmem:s20+$0x3060 ss:$0x81] =	vst.msk $0xffff, v3;
	v60 =	vld [tilespmem:s19+$0x0]  }
0x11: {  	[tilespmem:s20+$0x0 ss:$0x81] =	vst.msk $0xffff, v0;
	v61 =	vld [tilespmem:s19+$0x10];
	s18 =	sadd.s32 s21, s18  }
0x12: {  	s26 =	sshll.u32 s16, $0xB;
	v62 =	vld [tilespmem:s19+$0x20];
	[tilespmem:s18+$0x3870 ss:$0x81] =	vst.msk $0xffff, v4  }
0x13: {  	s27 =	sand.u32 $0x78, s14;
	s22 =	sshll.u32 s14, $0x3;
	v63 =	vld [tilespmem:s19+$0xFFFFFFC0];
	s29 =	sshll.u32 s16, $0x7;
	[tilespmem:s18+$0x810 ss:$0x81] =	vst.msk $0xffff, v5  }
0x14: {  	s15 =	sshll.u32 s15, $0x13;
	s20 =	sand.u32 $0x3FC000, s26;
	s28 =	sand.u32 $0x3FFC00, s22;
	[tilespmem:s18+$0x1020 ss:$0x81] =	vst.msk $0xffff, v58  }
0x15: {  	s31 =	sand.u32 $0x7, s14;
	s22 =	sand.u32 $0x400, s22;
	s19 =	sadd.s32 s28, s20;
	[tilespmem:s18+$0x1830 ss:$0x81] =	vst.msk $0xffff, v59  }
0x16: {  	s16 =	sand.u32 $0x380, s29;
	s30 =	sor.u32 s27, s22;
	s19 =	sshrl.u32 s19, $0x3;
	[tilespmem:s18+$0x2040 ss:$0x81] =	vst.msk $0xffff, v60  }
0x17: {  	s15 =	sadd.s32 s4, s15;
	s16 =	sor.u32 s16, s30;
	s19 =	sand.u32 $0x7FF00, s19;
	[tilespmem:s18+$0x2850 ss:$0x81] =	vst.msk $0xffff, v61  }
0x18: {  	s14 =	sshll.u32 s31, $0x12;
	s16 =	sshrl.u32 s16, $0x3;
	[tilespmem:s18+$0x3060 ss:$0x81] =	vst.msk $0xffff, v62;
	s15 =	sadd.s32 s19, s15  }
0x19: {  	s14 =	sor.u32 $0x400, s14;
	[tilespmem:s18+$0x0 ss:$0x81] =	vst.msk $0xffff, v63;
	s15 =	sadd.s32 s16, s15  }
0x1a: {  	[hbm4b:s15+s14] =	stream.strided.scatter [tilespmem:s17], [sflag:$0x2], $0x4000, s9, s14, $0x20;
	[tilespmem:$0x10100] =	vst v63  }
.LBB1_5:
0x1b: {  	s17 =	sadd.s32 $0x80, s10  }
0x1c: {  	s14 =	sadd.s32 $0x200, s11;
	s18 =	smov.u32 s11;
	p2 =	sgt.s32 s17, $0x7FF  }
0x1d: {  	s18 =	smov.u32 @p2 s14  }
0x1e: {  	s20 =	smov.u32 s12;
	s14 =	sadd.s32 $0x8, s12;
	p3 =	sgt.s32 s18, $0x7FF  }
0x1f: {  	s20 =	smov.u32 @p3 s14  }
0x20: {  	s17 =	simm.s32 @p2 $0x0;
	p2 =	sgt.s32 s20, $0x7  }
0x21: {  	p1 =	slt.u32 s13, $0x2;
	s20 =	smov.u32 @p2 s5;
	p2 =	sne.s32 s13, s8  }
.Ltmp1:
0x22: {  	s19 =	simm.s32 @!p1 $0x2;
	(pc) =	sbr.rel @!p2 .LBB1_6-.Ltmp1, $4  }
0x23: {  	s16 =	smov.u32 s10;
	s15 =	smov.u32 s12;
	_ =	swait.ge @!p1 [sflag:s19], $0x4000  }
0x24: {  	p0 =	por !p0, !p0;
	[sflag:s19] =	ssyncset.done @!p1 $0x0;
	s10 =	smov.u32 s17  }
0x25: {  	s18 =	smov.u32 @p3 s2;
	s14 =	smov.u32 s11;
	[sflag:s19] =	ssyncadd.s32 @!p1 $0xFFFFC000  }
0x26: {  	s11 =	smov.u32 s18;
	s13 =	sadd.s32 $0x1, s13;
	s12 =	smov.u32 s20  }
.LBB1_1:
0x27: {  	p1 =	sge.u32 s13, s7;
	s31 =	sadd.s32 $0xFFFFFFFF, s13  }
0x28: {  	s17 =	sxor.u32 @!p1 $0xFFFFFFFF, s13;
	s18 =	sand.u32 @!p1 $0x78, s10;
	s19 =	sshll.u32 @!p1 s11, $0xB  }
0x29: {  	s20 =	sshll.u32 @!p1 s11, $0x7;
	s21 =	sshll.u32 @!p1 s10, $0x3;
	s17 =	sshll.u32 @!p1 s17, $0xE  }
0x2a: {  	s19 =	sand.u32 @!p1 $0x3FC000, s19;
	s20 =	sand.u32 @!p1 $0x380, s20;
	s17 =	sand.u32 @!p1 $0x4000, s17  }
0x2b: {  	s19 =	sadd.s32 @!p1 s19, s21;
	s21 =	sand.u32 @!p1 $0x400, s21;
	s18 =	sor.u32 @!p1 s20, s18  }
0x2c: {  	s20 =	sshll.u32 @!p1 s12, $0x13;
	s18 =	sor.u32 @!p1 s21, s18;
	s19 =	sshrl.u32 @!p1 s19, $0x3  }
0x2d: {  	s20 =	sadd.s32 @!p1 s3, s20;
	s21 =	sand.u32 @!p1 $0x7, s10;
	s19 =	sand.u32 @!p1 $0x7FF00, s19  }
0x2e: {  	s18 =	sshrl.u32 @!p1 s18, $0x3;
	s19 =	sadd.s32 @!p1 s19, s20;
	s20 =	sshll.u32 @!p1 s21, $0x12  }
0x2f: {  	s18 =	sadd.s32 @!p1 s18, s19;
	s19 =	sor.u32 @!p1 $0x400, s20;
	s20 =	simm.s32 @!p1 $0x4000  }
0x30: {  	[tilespmem:s17], [sflag:$0x1] =	stream.strided.gather @!p1 [hbm4b:s18+s19], $0x4000, s20, s19, $0x38;
	[tilespmem:$0x10100] =	vst v63  }
0x31: {  	p1 =	sge.u32 s31, s7  }
.Ltmp2:
0x32: {  	_ = 	snop;
	(pc) =	sbr.rel @p1 .LBB1_5-.Ltmp2, $1  }
0x33: {  	_ =	sdelay $0x3  }
0x34: {  	s17 =	simm.s32 $0x1  }
0x35: {  	_ =	swait.ge [sflag:s6], $0x4000;
	s17 =	simm.s32 @!p0 $0x0  }
0x36: {  	[sflag:s6] =	ssyncset.done $0x0;
	s18 =	sshll.u32 s17, $0xE  }
0x37: {  	[sflag:s6] =	ssyncadd.s32 $0xFFFFC000;
	s19 =	sor.u32 $0x40, s18  }
0x38: {  	s17 =	smul.u32 $0x10200, s17;
	v0 =	vld [tilespmem:s19+$0x30]  }
0x39: {  	v3 =	vld [tilespmem:s19+$0xFFFFFFD0]  }
0x3a: {  	s17 =	sshrl.u32 s17, $0x2;
	v4 =	vld [tilespmem:s19+$0xFFFFFFE0]  }
0x3b: {  	v5 =	vld [tilespmem:s19+$0xFFFFFFF0];
	s18 =	sor.u32 $0x8000, s17  }
0x3c: {  	s31 =	sand.u32 $0x1, s13;
	v1 =	vld [tilespmem:s19+$0x0];
	s20 =	sadd.s32 $0x0, s18  }
0x3d: {  	v2 =	vld [tilespmem:s19+$0x10];
	s17 =	smul.u32 $0x10200, s31;
	[tilespmem:s20+$0x3870 ss:$0x81] =	vst.msk $0xffff, v0  }
0x3e: {  	[tilespmem:s20+$0x810 ss:$0x81] =	vst.msk $0xffff, v3;
	v3 =	vld [tilespmem:s19+$0x20]  }
0x3f: {  	s17 =	sshrl.u32 s17, $0x2;
	v0 =	vld [tilespmem:s19+$0xFFFFFFC0];
	[tilespmem:s20+$0x1020 ss:$0x81] =	vst.msk $0xffff, v4;
	s19 =	sadd.s32 $0x80, s19  }
0x40: {  	s21 =	simm.s32 $0x4;
	s22 =	simm.s32 $0x8;
	s17 =	sor.u32 $0x8000, s17;
	[tilespmem:s20+$0x1830 ss:$0x81] =	vst.msk $0xffff, v5;
	v4 =	vld [tilespmem:s19+$0x30]  }
.LBB1_3:
0x41: {  	p1 =	sne.s32 s22, $0x1FC;
	v5 =	vld [tilespmem:s19+$0xFFFFFFD0];
	[tilespmem:s20+$0x2040 ss:$0x81] =	vst.msk $0xffff, v1  }
0x42: {  	v6 =	vld [tilespmem:s19+$0xFFFFFFE0];
	[tilespmem:s20+$0x2850 ss:$0x81] =	vst.msk $0xffff, v2  }
0x43: {  	s23 =	sshra.s32 s21, $0x2;
	s21 =	smov.u32 s22;
	v7 =	vld [tilespmem:s19+$0xFFFFFFF0];
	[tilespmem:s20+$0x3060 ss:$0x81] =	vst.msk $0xffff, v3  }
.Ltmp3:
0x44: {  	v1 =	vld [tilespmem:s19+$0x0];
	[tilespmem:s20+$0x0 ss:$0x81] =	vst.msk $0xffff, v0;
	s20 =	sadd.s32 s23, s18;
	(pc) =	sbr.rel @p1 .LBB1_3-.Ltmp3, $4  }
0x45: {  	v2 =	vld [tilespmem:s19+$0x10];
	[tilespmem:s20+$0x3870 ss:$0x81] =	vst.msk $0xffff, v4  }
0x46: {  	[tilespmem:s20+$0x810 ss:$0x81] =	vst.msk $0xffff, v5;
	v3 =	vld [tilespmem:s19+$0x20]  }
0x47: {  	v0 =	vld [tilespmem:s19+$0xFFFFFFC0];
	[tilespmem:s20+$0x1020 ss:$0x81] =	vst.msk $0xffff, v6;
	s19 =	sadd.s32 $0x80, s19  }
0x48: {  	s22 =	sadd.s32 $0x4, s22;
	v4 =	vld [tilespmem:s19+$0x30];
	[tilespmem:s20+$0x1830 ss:$0x81] =	vst.msk $0xffff, v7  }
.Ltmp4:
0x49: {  	_ = 	snop;
	(pc) =	sbr.rel .LBB1_4-.Ltmp4, $1  }
0x4a: {  	_ =	sdelay $0x3  }
.LBB1_6:
0x4b: {  	_ =	sfence.sel $0x180000  }
0x4c: {  	s2 =	simm.s32 $0x1;
	[bflag:$0x0] =	sbarrier.arrive $0xFFFF  }
0x4d: {  	s31 =	simm.s32 $0x2;
	[sflag:s2] =	ssyncpa.u1 $0x1  }
0x4e: {  	[sflag:s31] =	ssyncpa.u1 $0x1  }
0x4f: {  	p0 =	sne.s32 s0, $0x0;
	_ =	strace $0x9000004D  }
0x50: {  	s0 =	sadd.s32 @!p0 $0x100000, s1;
	[bflag:$0x2] =	sbarrier.arrive $0xFFFF  }
0x51: {  	[sflag:s0] =	ssyncadd.tile.s32 @!p0 $0x1;
	_ =	shalt  }
.Lfunc_end1:
_tile_overlayer_lowered:
.L_overlay_start_2:
0x52: {  	(tag) =	ssettag $0x2  }
0x53: {  	s0 =	rddreg [dreg:$0x0];
	s2 =	stileid.u32  }
0x54: {  	s1 =	rddreg [dreg:$0x1];
	p0 =	sne.s32 s2, $0x0  }
0x55: {  	s3 =	rddreg [dreg:$0x2];
	[bflag:$0x3] =	sbarrier.arrive $0xFFFF;
	s2 =	simm.s32 @!p0 $0x1C01  }
0x56: {  	[timem:s3], [sflag:s2] =	dma.local @!p0 [hbm:s0], s1  }
0x57: {  	s0 =	simm.s32 @!p0 $0x1  }
0x58: {  	_ =	swait.ge @!p0 [sflag:s0], s1  }
0x59: {  	s1 =	ssub.s32 @!p0 $0x0, s1;
	[sflag:s0] =	ssyncset.done @!p0 $0x0  }
0x5a: {  	[sflag:s0] =	ssyncadd.s32 @!p0 s1  }
0x5b: {  	[bflag:$0x3] =	sbarrier.arrive $0xFFFF  }
0x5c: {  	_ =	shalt  }

// kernel: sparse-core-data-format-call.4.cloned.1.call-start
scs
called_computation.4_lowered:
.L_overlay_start_0:
0x0: {  	s1 =	sld [smem:$0x3FD9]  }
0x1: {  	s2 =	sld [smem:$0x3FFE];
	_ =	sdelay $0x1  }
0x2: {  	s3 =	srdreg.scid  }
0x3: {  	s0 =	sand.u32 $0x1, s3  }
0x4: {  	s17 =	sshll.u32 s0, $0xA;
	s1 =	sadd.s32 s2, s1  }
0x5: {  	s1 =	sadd.s32 s1, s17  }
0x6: {  	[smem:$0x3FB6] =	sst s1  }
0x7: {  	_ = 	snop  }
0x8: {  	(tm) =	ssettm $0x1  }
0x9: {  	s18 =	sld [smem:$0x3FFB];
	_ =	sdelay $0x3  }
0xa: {  	_ =	strace s18  }
0xb: {  	s1 =	sld [smem:$0x3FFC];
	_ =	sdelay $0x3  }
0xc: {  	_ =	strace s1  }
0xd: {  	s1 =	sld [smem:$0x3FFD];
	_ =	sdelay $0x3  }
0xe: {  	_ =	strace s1  }
0xf: {  	_ =	strace $0x8FFFFFFF  }
0x10: {  	s19 =	sld [smem:$0x3FDB];
	_ =	sdelay $0x1  }
0x11: {  	s20 =	simm.s32 $_scs_section_size  }
0x12: {  	s4 =	simm.s32 $_size__tile_overlayer_lowered;
	s5 =	simm.s32 $_tile_overlayer_lowered  }
0x13: {  	s23 =	simm.s32 $0x1BFF;
	s22 =	sshll.u32 s5, $0x1;
	s1 =	sadd.s32 s20, s19  }
0x14: {  	s6 =	simm.s32 $0x0;
	s21 =	sshll.u32 s4, $0x1;
	s4 =	sadd.s32 s22, s1  }
0x15: {  	[timem:s6], [sflag:s23] =	dma.local [hbm:s4], s21  }
0x16: {  	_ =	swait.ge [sflag:s23], s21  }
0x17: {  	s2 =	ssub.s32 $0x0, s21;
	[sflag:s23] =	ssyncset.done $0x0  }
0x18: {  	[sflag:s23] =	ssyncadd.s32 s2;
	_ =	sdelay $0x1  }
0x19: {  	s24 =	simm.s32 $0x1B8B  }
0x1a: {  	_ =	swait.ge [sflag:s24], $0x1  }
0x1b: {  	[sflag:s24] =	ssyncset.done $0x0  }
0x1c: {  	s26 =	simm.s32 $0x1B8E;
	s25 =	sld [smem:$0x3FFE];
	[sflag:s24] =	ssyncadd.s32 $0xFFFFFFFF  }
0x1d: {  	s27 =	simm.s32 $execute0_lowered;
	[smem:$0x3FD2] =	sst s26  }
0x1e: {  	s4 =	sshll.u32 s27, $0x1;
	_ =	strace $0x80000049;
	[dreg:$0x1] =	wrdreg $0xFFFFFFFF  }
0x1f: {  	s28 =	simm.s32 $_size_execute0_lowered;
	s1 =	sadd.s32 s1, s4;
	[dreg:$0x0] =	wrdreg $0x0  }
0x20: {  	s4 =	sshll.u32 s28, $0x1;
	[dreg:$0x2] =	wrdreg s1  }
0x21: {  	[dreg:$0x3] =	wrdreg s4  }
0x22: {  	[dreg:$0x4] =	wrdreg $0xC0  }
0x23: {  	_ =	task [dreg:s6], $0x5FFFF  }
0x24: {  	[dreg:$0x1] =	wrdreg $0xFFFFFFFF  }
0x25: {  	[dreg:$0x0] =	wrdreg $0x60  }
0x26: {  	[dreg:$0x2] =	wrdreg s25  }
0x27: {  	[dreg:$0x3] =	wrdreg $0x9  }
0x28: {  	_ =	task.clear_ibuf [dreg:s6], $0x4FFFF;
	_ =	strace $0x90000049  }
0x29: {  	s29 =	simm.s32 $0x9;
	_ =	strace $0x8000004B  }
0x2a: {  	_ =	swait.ge [sflag:s29], $0x1  }
0x2b: {  	[sflag:s29] =	ssyncadd.s32 $0xFFFFFFFF  }
0x2c: {  	_ =	strace $0x9000004B  }
0x2d: {  	_ =	sfence  }
0x2e: {  	s30 =	sld [smem:$0x0];
	_ =	sdelay $0x2  }
0x2f: {  	s31 =	sshll.u32 s3, $0xD;
	s3 =	sshrl.u32 s3, $0x2  }
0x30: {  	s2 =	sand.u32 $0x4000, s31;
	s1 =	sadd.s32 s3, s30  }
0x31: {  	s0 =	sor.u32 s2, s0;
	s1 =	sshll.u32 s1, $0x11  }
0x32: {  	s0 =	sor.u32 s1, s0  }
0x33: {  	s0 =	sadd.s32 $0x8F2B, s0  }
0x34: {  	[sflag:s0] =	ssyncadd.remote.s32 $0x1  }
0x35: {  	_ =	sfence.sel $0xFFFF  }
0x36: {  	[dreg:$0x0] =	wrdreg $0xFFFFFFFF;
	(pc) =	sbr.abs _section_cstart, $3  }
0x37: {  	[dreg:$0x1] =	wrdreg $0xFFFFFFFF  }
0x38: {  	_ =	task.clear_ibuf [dreg:s6], $0x2FFFF;
	_ =	strace $0x9FFFFFFF  }
0x39: {  	(tm) =	ssettm $0x7FFFFFFF  }
tec
execute0_lowered:
.L_overlay_start_1:
0x0: {  	(tag) =	ssettag $0x1  }
0x1: {  	s0 =	stileid.u32;
	s1 =	srdreg.scid  }
0x2: {  	s4 =	rddreg [dreg:$0x0];
	s7 =	simm.s32 $0x1;
	s31 =	simm.s32 $0x2  }
0x3: {  	s16 =	simm.s32 $0x0;
	s2 =	sshll.u32 s0, $0x4;
	s1 =	sshll.u32 s1, $0x8  }
0x4: {  	s9 =	simm.s32 $0x4000;
	s14 =	simm.s32 $0x0;
	s1 =	sor.u32 s2, s1  }
0x5: {  	s15 =	simm.s32 $0x0;
	s10 =	simm.s32 $0x0;
	s2 =	sand.u32 $0x180, s1  }
0x6: {  	s13 =	simm.s32 $0x0;
	s3 =	sadd.s32 $0x440000, s4;
	s5 =	ssub.s32 $0x800, s2  }
0x7: {  	s4 =	sadd.s32 $0x840000, s4;
	s1 =	rddreg [dreg:$0x1];
	s6 =	sand.u32 $0x180, s5  }
.Ltmp0:
0x8: {  	_ =	strace $0x8000004A;
	p0 =	sne.s32 s6, $0x0;
	(pc) =	sbr.rel .LBB1_1-.Ltmp0, $4  }
0x9: {  	s11 =	smov.u32 s2;
	s8 =	sshrl.u32 s5, $0x9;
	s7 =	simm.s32 @!p0 $0x0  }
0xa: {  	s5 =	sand.u32 $0x7, s0;
	s6 =	simm.s32 $0x1;
	s7 =	sadd.s32 s7, s8  }
0xb: {  	s12 =	smov.u32 s5;
	[sflag:s6] =	ssyncpa.u1 $0x0;
	s7 =	sshll.u32 s7, $0x4  }
0xc: {  	p0 =	por $0x0, $0x0;
	[sflag:s31] =	ssyncpa.u1 $0x0;
	s8 =	sor.u32 $0x1, s7  }
.LBB1_4:
0xd: {  	v5 =	vld [tilespmem:s19+$0xFFFFFFD0]  }
0xe: {  	[tilespmem:s20+$0x2040 ss:$0x81] =	vst.msk $0xffff, v1;
	v58 =	vld [tilespmem:s19+$0xFFFFFFE0]  }
0xf: {  	[tilespmem:s20+$0x2850 ss:$0x81] =	vst.msk $0xffff, v2;
	v59 =	vld [tilespmem:s19+$0xFFFFFFF0]  }
0x10: {  	s21 =	sshra.s32 s21, $0x2;
	[tilespmem:s20+$0x3060 ss:$0x81] =	vst.msk $0xffff, v3;
	v60 =	vld [tilespmem:s19+$0x0]  }
0x11: {  	[tilespmem:s20+$0x0 ss:$0x81] =	vst.msk $0xffff, v0;
	v61 =	vld [tilespmem:s19+$0x10];
	s18 =	sadd.s32 s21, s18  }
0x12: {  	s26 =	sshll.u32 s16, $0xB;
	v62 =	vld [tilespmem:s19+$0x20];
	[tilespmem:s18+$0x3870 ss:$0x81] =	vst.msk $0xffff, v4  }
0x13: {  	s27 =	sand.u32 $0x78, s14;
	s22 =	sshll.u32 s14, $0x3;
	v63 =	vld [tilespmem:s19+$0xFFFFFFC0];
	s29 =	sshll.u32 s16, $0x7;
	[tilespmem:s18+$0x810 ss:$0x81] =	vst.msk $0xffff, v5  }
0x14: {  	s15 =	sshll.u32 s15, $0x13;
	s20 =	sand.u32 $0x3FC000, s26;
	s28 =	sand.u32 $0x3FFC00, s22;
	[tilespmem:s18+$0x1020 ss:$0x81] =	vst.msk $0xffff, v58  }
0x15: {  	s31 =	sand.u32 $0x7, s14;
	s22 =	sand.u32 $0x400, s22;
	s19 =	sadd.s32 s28, s20;
	[tilespmem:s18+$0x1830 ss:$0x81] =	vst.msk $0xffff, v59  }
0x16: {  	s16 =	sand.u32 $0x380, s29;
	s30 =	sor.u32 s27, s22;
	s19 =	sshrl.u32 s19, $0x3;
	[tilespmem:s18+$0x2040 ss:$0x81] =	vst.msk $0xffff, v60  }
0x17: {  	s15 =	sadd.s32 s4, s15;
	s16 =	sor.u32 s16, s30;
	s19 =	sand.u32 $0x7FF00, s19;
	[tilespmem:s18+$0x2850 ss:$0x81] =	vst.msk $0xffff, v61  }
0x18: {  	s14 =	sshll.u32 s31, $0x12;
	s16 =	sshrl.u32 s16, $0x3;
	[tilespmem:s18+$0x3060 ss:$0x81] =	vst.msk $0xffff, v62;
	s15 =	sadd.s32 s19, s15  }
0x19: {  	s14 =	sor.u32 $0x400, s14;
	[tilespmem:s18+$0x0 ss:$0x81] =	vst.msk $0xffff, v63;
	s15 =	sadd.s32 s16, s15  }
0x1a: {  	[hbm4b:s15+s14] =	stream.strided.scatter [tilespmem:s17], [sflag:$0x2], $0x4000, s9, s14, $0x20;
	[tilespmem:$0x10100] =	vst v63  }
.LBB1_5:
0x1b: {  	s17 =	sadd.s32 $0x80, s10  }
0x1c: {  	s14 =	sadd.s32 $0x200, s11;
	s18 =	smov.u32 s11;
	p2 =	sgt.s32 s17, $0x7FF  }
0x1d: {  	s18 =	smov.u32 @p2 s14  }
0x1e: {  	s20 =	smov.u32 s12;
	s14 =	sadd.s32 $0x8, s12;
	p3 =	sgt.s32 s18, $0x7FF  }
0x1f: {  	s20 =	smov.u32 @p3 s14  }
0x20: {  	s17 =	simm.s32 @p2 $0x0;
	p2 =	sgt.s32 s20, $0x7  }
0x21: {  	p1 =	slt.u32 s13, $0x2;
	s20 =	smov.u32 @p2 s5;
	p2 =	sne.s32 s13, s8  }
.Ltmp1:
0x22: {  	s19 =	simm.s32 @!p1 $0x2;
	(pc) =	sbr.rel @!p2 .LBB1_6-.Ltmp1, $4  }
0x23: {  	s16 =	smov.u32 s10;
	s15 =	smov.u32 s12;
	_ =	swait.ge @!p1 [sflag:s19], $0x4000  }
0x24: {  	p0 =	por !p0, !p0;
	[sflag:s19] =	ssyncset.done @!p1 $0x0;
	s10 =	smov.u32 s17  }
0x25: {  	s18 =	smov.u32 @p3 s2;
	s14 =	smov.u32 s11;
	[sflag:s19] =	ssyncadd.s32 @!p1 $0xFFFFC000  }
0x26: {  	s11 =	smov.u32 s18;
	s13 =	sadd.s32 $0x1, s13;
	s12 =	smov.u32 s20  }
.LBB1_1:
0x27: {  	p1 =	sge.u32 s13, s7;
	s31 =	sadd.s32 $0xFFFFFFFF, s13  }
0x28: {  	s17 =	sxor.u32 @!p1 $0xFFFFFFFF, s13;
	s18 =	sand.u32 @!p1 $0x78, s10;
	s19 =	sshll.u32 @!p1 s11, $0xB  }
0x29: {  	s20 =	sshll.u32 @!p1 s11, $0x7;
	s21 =	sshll.u32 @!p1 s10, $0x3;
	s17 =	sshll.u32 @!p1 s17, $0xE  }
0x2a: {  	s19 =	sand.u32 @!p1 $0x3FC000, s19;
	s20 =	sand.u32 @!p1 $0x380, s20;
	s17 =	sand.u32 @!p1 $0x4000, s17  }
0x2b: {  	s19 =	sadd.s32 @!p1 s19, s21;
	s21 =	sand.u32 @!p1 $0x400, s21;
	s18 =	sor.u32 @!p1 s20, s18  }
0x2c: {  	s20 =	sshll.u32 @!p1 s12, $0x13;
	s18 =	sor.u32 @!p1 s21, s18;
	s19 =	sshrl.u32 @!p1 s19, $0x3  }
0x2d: {  	s20 =	sadd.s32 @!p1 s3, s20;
	s21 =	sand.u32 @!p1 $0x7, s10;
	s19 =	sand.u32 @!p1 $0x7FF00, s19  }
0x2e: {  	s18 =	sshrl.u32 @!p1 s18, $0x3;
	s19 =	sadd.s32 @!p1 s19, s20;
	s20 =	sshll.u32 @!p1 s21, $0x12  }
0x2f: {  	s18 =	sadd.s32 @!p1 s18, s19;
	s19 =	sor.u32 @!p1 $0x400, s20;
	s20 =	simm.s32 @!p1 $0x4000  }
0x30: {  	[tilespmem:s17], [sflag:$0x1] =	stream.strided.gather @!p1 [hbm4b:s18+s19], $0x4000, s20, s19, $0x38;
	[tilespmem:$0x10100] =	vst v63  }
0x31: {  	p1 =	sge.u32 s31, s7  }
.Ltmp2:
0x32: {  	_ = 	snop;
	(pc) =	sbr.rel @p1 .LBB1_5-.Ltmp2, $1  }
0x33: {  	_ =	sdelay $0x3  }
0x34: {  	s17 =	simm.s32 $0x1  }
0x35: {  	_ =	swait.ge [sflag:s6], $0x4000;
	s17 =	simm.s32 @!p0 $0x0  }
0x36: {  	[sflag:s6] =	ssyncset.done $0x0;
	s18 =	sshll.u32 s17, $0xE  }
0x37: {  	[sflag:s6] =	ssyncadd.s32 $0xFFFFC000;
	s19 =	sor.u32 $0x40, s18  }
0x38: {  	s17 =	smul.u32 $0x10200, s17;
	v0 =	vld [tilespmem:s19+$0x30]  }
0x39: {  	v3 =	vld [tilespmem:s19+$0xFFFFFFD0]  }
0x3a: {  	s17 =	sshrl.u32 s17, $0x2;
	v4 =	vld [tilespmem:s19+$0xFFFFFFE0]  }
0x3b: {  	v5 =	vld [tilespmem:s19+$0xFFFFFFF0];
	s18 =	sor.u32 $0x8000, s17  }
0x3c: {  	s31 =	sand.u32 $0x1, s13;
	v1 =	vld [tilespmem:s19+$0x0];
	s20 =	sadd.s32 $0x0, s18  }
0x3d: {  	v2 =	vld [tilespmem:s19+$0x10];
	s17 =	smul.u32 $0x10200, s31;
	[tilespmem:s20+$0x3870 ss:$0x81] =	vst.msk $0xffff, v0  }
0x3e: {  	[tilespmem:s20+$0x810 ss:$0x81] =	vst.msk $0xffff, v3;
	v3 =	vld [tilespmem:s19+$0x20]  }
0x3f: {  	s17 =	sshrl.u32 s17, $0x2;
	v0 =	vld [tilespmem:s19+$0xFFFFFFC0];
	[tilespmem:s20+$0x1020 ss:$0x81] =	vst.msk $0xffff, v4;
	s19 =	sadd.s32 $0x80, s19  }
0x40: {  	s21 =	simm.s32 $0x4;
	s22 =	simm.s32 $0x8;
	s17 =	sor.u32 $0x8000, s17;
	[tilespmem:s20+$0x1830 ss:$0x81] =	vst.msk $0xffff, v5;
	v4 =	vld [tilespmem:s19+$0x30]  }
.LBB1_3:
0x41: {  	p1 =	sne.s32 s22, $0x1FC;
	v5 =	vld [tilespmem:s19+$0xFFFFFFD0];
	[tilespmem:s20+$0x2040 ss:$0x81] =	vst.msk $0xffff, v1  }
0x42: {  	v6 =	vld [tilespmem:s19+$0xFFFFFFE0];
	[tilespmem:s20+$0x2850 ss:$0x81] =	vst.msk $0xffff, v2  }
0x43: {  	s23 =	sshra.s32 s21, $0x2;
	s21 =	smov.u32 s22;
	v7 =	vld [tilespmem:s19+$0xFFFFFFF0];
	[tilespmem:s20+$0x3060 ss:$0x81] =	vst.msk $0xffff, v3  }
.Ltmp3:
0x44: {  	v1 =	vld [tilespmem:s19+$0x0];
	[tilespmem:s20+$0x0 ss:$0x81] =	vst.msk $0xffff, v0;
	s20 =	sadd.s32 s23, s18;
	(pc) =	sbr.rel @p1 .LBB1_3-.Ltmp3, $4  }
0x45: {  	v2 =	vld [tilespmem:s19+$0x10];
	[tilespmem:s20+$0x3870 ss:$0x81] =	vst.msk $0xffff, v4  }
0x46: {  	[tilespmem:s20+$0x810 ss:$0x81] =	vst.msk $0xffff, v5;
	v3 =	vld [tilespmem:s19+$0x20]  }
0x47: {  	v0 =	vld [tilespmem:s19+$0xFFFFFFC0];
	[tilespmem:s20+$0x1020 ss:$0x81] =	vst.msk $0xffff, v6;
	s19 =	sadd.s32 $0x80, s19  }
0x48: {  	s22 =	sadd.s32 $0x4, s22;
	v4 =	vld [tilespmem:s19+$0x30];
	[tilespmem:s20+$0x1830 ss:$0x81] =	vst.msk $0xffff, v7  }
.Ltmp4:
0x49: {  	_ = 	snop;
	(pc) =	sbr.rel .LBB1_4-.Ltmp4, $1  }
0x4a: {  	_ =	sdelay $0x3  }
.LBB1_6:
0x4b: {  	_ =	sfence.sel $0x180000  }
0x4c: {  	s2 =	simm.s32 $0x1;
	[bflag:$0x0] =	sbarrier.arrive $0xFFFF  }
0x4d: {  	s31 =	simm.s32 $0x2;
	[sflag:s2] =	ssyncpa.u1 $0x1  }
0x4e: {  	[sflag:s31] =	ssyncpa.u1 $0x1  }
0x4f: {  	p0 =	sne.s32 s0, $0x0;
	_ =	strace $0x9000004A  }
0x50: {  	s0 =	sadd.s32 @!p0 $0x100000, s1;
	[bflag:$0x2] =	sbarrier.arrive $0xFFFF  }
0x51: {  	[sflag:s0] =	ssyncadd.tile.s32 @!p0 $0x1;
	_ =	shalt  }
.Lfunc_end1:
_tile_overlayer_lowered:
.L_overlay_start_2:
0x52: {  	(tag) =	ssettag $0x2  }
0x53: {  	s0 =	rddreg [dreg:$0x0];
	s2 =	stileid.u32  }
0x54: {  	s1 =	rddreg [dreg:$0x1];
	p0 =	sne.s32 s2, $0x0  }
0x55: {  	s3 =	rddreg [dreg:$0x2];
	[bflag:$0x3] =	sbarrier.arrive $0xFFFF;
	s2 =	simm.s32 @!p0 $0x1C01  }
0x56: {  	[timem:s3], [sflag:s2] =	dma.local @!p0 [hbm:s0], s1  }
0x57: {  	s0 =	simm.s32 @!p0 $0x1  }
0x58: {  	_ =	swait.ge @!p0 [sflag:s0], s1  }
0x59: {  	s1 =	ssub.s32 @!p0 $0x0, s1;
	[sflag:s0] =	ssyncset.done @!p0 $0x0  }
0x5a: {  	[sflag:s0] =	ssyncadd.s32 @!p0 s1  }
0x5b: {  	[bflag:$0x3] =	sbarrier.arrive $0xFFFF  }
0x5c: {  	_ =	shalt  }

// kernel: sparse-core-data-format-call.5.cloned.1.call-start
scs
called_computation.5_lowered:
.L_overlay_start_0:
0x0: {  	s1 =	sld [smem:$0x3FD9]  }
0x1: {  	s2 =	sld [smem:$0x3FFE];
	_ =	sdelay $0x1  }
0x2: {  	s3 =	srdreg.scid  }
0x3: {  	s0 =	sand.u32 $0x1, s3  }
0x4: {  	s17 =	sshll.u32 s0, $0xA;
	s1 =	sadd.s32 s2, s1  }
0x5: {  	s1 =	sadd.s32 s1, s17  }
0x6: {  	[smem:$0x3FB6] =	sst s1  }
0x7: {  	_ = 	snop  }
0x8: {  	(tm) =	ssettm $0x1  }
0x9: {  	s18 =	sld [smem:$0x3FFB];
	_ =	sdelay $0x3  }
0xa: {  	_ =	strace s18  }
0xb: {  	s1 =	sld [smem:$0x3FFC];
	_ =	sdelay $0x3  }
0xc: {  	_ =	strace s1  }
0xd: {  	s1 =	sld [smem:$0x3FFD];
	_ =	sdelay $0x3  }
0xe: {  	_ =	strace s1  }
0xf: {  	_ =	strace $0x8FFFFFFF  }
0x10: {  	s19 =	sld [smem:$0x3FDB];
	_ =	sdelay $0x1  }
0x11: {  	s20 =	simm.s32 $_scs_section_size  }
0x12: {  	s4 =	simm.s32 $_size__tile_overlayer_lowered;
	s5 =	simm.s32 $_tile_overlayer_lowered  }
0x13: {  	s23 =	simm.s32 $0x1BFF;
	s22 =	sshll.u32 s5, $0x1;
	s1 =	sadd.s32 s20, s19  }
0x14: {  	s6 =	simm.s32 $0x0;
	s21 =	sshll.u32 s4, $0x1;
	s4 =	sadd.s32 s22, s1  }
0x15: {  	[timem:s6], [sflag:s23] =	dma.local [hbm:s4], s21  }
0x16: {  	_ =	swait.ge [sflag:s23], s21  }
0x17: {  	s2 =	ssub.s32 $0x0, s21;
	[sflag:s23] =	ssyncset.done $0x0  }
0x18: {  	[sflag:s23] =	ssyncadd.s32 s2;
	_ =	sdelay $0x1  }
0x19: {  	s24 =	simm.s32 $0x1B8B  }
0x1a: {  	_ =	swait.ge [sflag:s24], $0x1  }
0x1b: {  	[sflag:s24] =	ssyncset.done $0x0  }
0x1c: {  	s26 =	simm.s32 $0x1B8E;
	s25 =	sld [smem:$0x3FFE];
	[sflag:s24] =	ssyncadd.s32 $0xFFFFFFFF  }
0x1d: {  	s27 =	simm.s32 $execute0_lowered;
	[smem:$0x3FD2] =	sst s26  }
0x1e: {  	s4 =	sshll.u32 s27, $0x1;
	_ =	strace $0x80000046;
	[dreg:$0x1] =	wrdreg $0xFFFFFFFF  }
0x1f: {  	s28 =	simm.s32 $_size_execute0_lowered;
	s1 =	sadd.s32 s1, s4;
	[dreg:$0x0] =	wrdreg $0x0  }
0x20: {  	s4 =	sshll.u32 s28, $0x1;
	[dreg:$0x2] =	wrdreg s1  }
0x21: {  	[dreg:$0x3] =	wrdreg s4  }
0x22: {  	[dreg:$0x4] =	wrdreg $0xC0  }
0x23: {  	_ =	task [dreg:s6], $0x5FFFF  }
0x24: {  	[dreg:$0x1] =	wrdreg $0xFFFFFFFF  }
0x25: {  	[dreg:$0x0] =	wrdreg $0x60  }
0x26: {  	[dreg:$0x2] =	wrdreg s25  }
0x27: {  	[dreg:$0x3] =	wrdreg $0x9  }
0x28: {  	_ =	task.clear_ibuf [dreg:s6], $0x4FFFF;
	_ =	strace $0x90000046  }
0x29: {  	s29 =	simm.s32 $0x9;
	_ =	strace $0x80000048  }
0x2a: {  	_ =	swait.ge [sflag:s29], $0x1  }
0x2b: {  	[sflag:s29] =	ssyncadd.s32 $0xFFFFFFFF  }
0x2c: {  	_ =	strace $0x90000048  }
0x2d: {  	_ =	sfence  }
0x2e: {  	s30 =	sld [smem:$0x0];
	_ =	sdelay $0x2  }
0x2f: {  	s31 =	sshll.u32 s3, $0xD;
	s3 =	sshrl.u32 s3, $0x2  }
0x30: {  	s2 =	sand.u32 $0x4000, s31;
	s1 =	sadd.s32 s3, s30  }
0x31: {  	s0 =	sor.u32 s2, s0;
	s1 =	sshll.u32 s1, $0x11  }
0x32: {  	s0 =	sor.u32 s1, s0  }
0x33: {  	s0 =	sadd.s32 $0x8F2B, s0  }
0x34: {  	[sflag:s0] =	ssyncadd.remote.s32 $0x1  }
0x35: {  	_ =	sfence.sel $0xFFFF  }
0x36: {  	[dreg:$0x0] =	wrdreg $0xFFFFFFFF;
	(pc) =	sbr.abs _section_cstart, $3  }
0x37: {  	[dreg:$0x1] =	wrdreg $0xFFFFFFFF  }
0x38: {  	_ =	task.clear_ibuf [dreg:s6], $0x2FFFF;
	_ =	strace $0x9FFFFFFF  }
0x39: {  	(tm) =	ssettm $0x7FFFFFFF  }
tec
execute0_lowered:
.L_overlay_start_1:
0x0: {  	(tag) =	ssettag $0x1  }
0x1: {  	s0 =	stileid.u32;
	s1 =	srdreg.scid  }
0x2: {  	s4 =	rddreg [dreg:$0x0];
	s7 =	simm.s32 $0x1;
	s31 =	simm.s32 $0x2  }
0x3: {  	s16 =	simm.s32 $0x0;
	s2 =	sshll.u32 s0, $0x4;
	s1 =	sshll.u32 s1, $0x8  }
0x4: {  	s9 =	simm.s32 $0x4000;
	s14 =	simm.s32 $0x0;
	s1 =	sor.u32 s2, s1  }
0x5: {  	s15 =	simm.s32 $0x0;
	s10 =	simm.s32 $0x0;
	s2 =	sand.u32 $0x180, s1  }
0x6: {  	s13 =	simm.s32 $0x0;
	s3 =	sadd.s32 $0x40000, s4;
	s5 =	ssub.s32 $0x800, s2  }
0x7: {  	s4 =	sadd.s32 $0x440000, s4;
	s1 =	rddreg [dreg:$0x1];
	s6 =	sand.u32 $0x180, s5  }
.Ltmp0:
0x8: {  	_ =	strace $0x80000047;
	p0 =	sne.s32 s6, $0x0;
	(pc) =	sbr.rel .LBB1_1-.Ltmp0, $4  }
0x9: {  	s11 =	smov.u32 s2;
	s8 =	sshrl.u32 s5, $0x9;
	s7 =	simm.s32 @!p0 $0x0  }
0xa: {  	s5 =	sand.u32 $0x7, s0;
	s6 =	simm.s32 $0x1;
	s7 =	sadd.s32 s7, s8  }
0xb: {  	s12 =	smov.u32 s5;
	[sflag:s6] =	ssyncpa.u1 $0x0;
	s7 =	sshll.u32 s7, $0x4  }
0xc: {  	p0 =	por $0x0, $0x0;
	[sflag:s31] =	ssyncpa.u1 $0x0;
	s8 =	sor.u32 $0x1, s7  }
.LBB1_4:
0xd: {  	v5 =	vld [tilespmem:s19+$0xFFFFFFD0]  }
0xe: {  	[tilespmem:s20+$0x2040 ss:$0x81] =	vst.msk $0xffff, v1;
	v58 =	vld [tilespmem:s19+$0xFFFFFFE0]  }
0xf: {  	[tilespmem:s20+$0x2850 ss:$0x81] =	vst.msk $0xffff, v2;
	v59 =	vld [tilespmem:s19+$0xFFFFFFF0]  }
0x10: {  	s21 =	sshra.s32 s21, $0x2;
	[tilespmem:s20+$0x3060 ss:$0x81] =	vst.msk $0xffff, v3;
	v60 =	vld [tilespmem:s19+$0x0]  }
0x11: {  	[tilespmem:s20+$0x0 ss:$0x81] =	vst.msk $0xffff, v0;
	v61 =	vld [tilespmem:s19+$0x10];
	s18 =	sadd.s32 s21, s18  }
0x12: {  	s26 =	sshll.u32 s16, $0xB;
	v62 =	vld [tilespmem:s19+$0x20];
	[tilespmem:s18+$0x3870 ss:$0x81] =	vst.msk $0xffff, v4  }
0x13: {  	s27 =	sand.u32 $0x78, s14;
	s22 =	sshll.u32 s14, $0x3;
	v63 =	vld [tilespmem:s19+$0xFFFFFFC0];
	s29 =	sshll.u32 s16, $0x7;
	[tilespmem:s18+$0x810 ss:$0x81] =	vst.msk $0xffff, v5  }
0x14: {  	s15 =	sshll.u32 s15, $0x13;
	s20 =	sand.u32 $0x3FC000, s26;
	s28 =	sand.u32 $0x3FFC00, s22;
	[tilespmem:s18+$0x1020 ss:$0x81] =	vst.msk $0xffff, v58  }
0x15: {  	s31 =	sand.u32 $0x7, s14;
	s22 =	sand.u32 $0x400, s22;
	s19 =	sadd.s32 s28, s20;
	[tilespmem:s18+$0x1830 ss:$0x81] =	vst.msk $0xffff, v59  }
0x16: {  	s16 =	sand.u32 $0x380, s29;
	s30 =	sor.u32 s27, s22;
	s19 =	sshrl.u32 s19, $0x3;
	[tilespmem:s18+$0x2040 ss:$0x81] =	vst.msk $0xffff, v60  }
0x17: {  	s15 =	sadd.s32 s4, s15;
	s16 =	sor.u32 s16, s30;
	s19 =	sand.u32 $0x7FF00, s19;
	[tilespmem:s18+$0x2850 ss:$0x81] =	vst.msk $0xffff, v61  }
0x18: {  	s14 =	sshll.u32 s31, $0x12;
	s16 =	sshrl.u32 s16, $0x3;
	[tilespmem:s18+$0x3060 ss:$0x81] =	vst.msk $0xffff, v62;
	s15 =	sadd.s32 s19, s15  }
0x19: {  	s14 =	sor.u32 $0x400, s14;
	[tilespmem:s18+$0x0 ss:$0x81] =	vst.msk $0xffff, v63;
	s15 =	sadd.s32 s16, s15  }
0x1a: {  	[hbm4b:s15+s14] =	stream.strided.scatter [tilespmem:s17], [sflag:$0x2], $0x4000, s9, s14, $0x20;
	[tilespmem:$0x10100] =	vst v63  }
.LBB1_5:
0x1b: {  	s17 =	sadd.s32 $0x80, s10  }
0x1c: {  	s14 =	sadd.s32 $0x200, s11;
	s18 =	smov.u32 s11;
	p2 =	sgt.s32 s17, $0x7FF  }
0x1d: {  	s18 =	smov.u32 @p2 s14  }
0x1e: {  	s20 =	smov.u32 s12;
	s14 =	sadd.s32 $0x8, s12;
	p3 =	sgt.s32 s18, $0x7FF  }
0x1f: {  	s20 =	smov.u32 @p3 s14  }
0x20: {  	s17 =	simm.s32 @p2 $0x0;
	p2 =	sgt.s32 s20, $0x7  }
0x21: {  	p1 =	slt.u32 s13, $0x2;
	s20 =	smov.u32 @p2 s5;
	p2 =	sne.s32 s13, s8  }
.Ltmp1:
0x22: {  	s19 =	simm.s32 @!p1 $0x2;
	(pc) =	sbr.rel @!p2 .LBB1_6-.Ltmp1, $4  }
0x23: {  	s16 =	smov.u32 s10;
	s15 =	smov.u32 s12;
	_ =	swait.ge @!p1 [sflag:s19], $0x4000  }
0x24: {  	p0 =	por !p0, !p0;
	[sflag:s19] =	ssyncset.done @!p1 $0x0;
	s10 =	smov.u32 s17  }
0x25: {  	s18 =	smov.u32 @p3 s2;
	s14 =	smov.u32 s11;
	[sflag:s19] =	ssyncadd.s32 @!p1 $0xFFFFC000  }
0x26: {  	s11 =	smov.u32 s18;
	s13 =	sadd.s32 $0x1, s13;
	s12 =	smov.u32 s20  }
.LBB1_1:
0x27: {  	p1 =	sge.u32 s13, s7;
	s31 =	sadd.s32 $0xFFFFFFFF, s13  }
0x28: {  	s17 =	sxor.u32 @!p1 $0xFFFFFFFF, s13;
	s18 =	sand.u32 @!p1 $0x78, s10;
	s19 =	sshll.u32 @!p1 s11, $0xB  }
0x29: {  	s20 =	sshll.u32 @!p1 s11, $0x7;
	s21 =	sshll.u32 @!p1 s10, $0x3;
	s17 =	sshll.u32 @!p1 s17, $0xE  }
0x2a: {  	s19 =	sand.u32 @!p1 $0x3FC000, s19;
	s20 =	sand.u32 @!p1 $0x380, s20;
	s17 =	sand.u32 @!p1 $0x4000, s17  }
0x2b: {  	s19 =	sadd.s32 @!p1 s19, s21;
	s21 =	sand.u32 @!p1 $0x400, s21;
	s18 =	sor.u32 @!p1 s20, s18  }
0x2c: {  	s20 =	sshll.u32 @!p1 s12, $0x13;
	s18 =	sor.u32 @!p1 s21, s18;
	s19 =	sshrl.u32 @!p1 s19, $0x3  }
0x2d: {  	s20 =	sadd.s32 @!p1 s3, s20;
	s21 =	sand.u32 @!p1 $0x7, s10;
	s19 =	sand.u32 @!p1 $0x7FF00, s19  }
0x2e: {  	s18 =	sshrl.u32 @!p1 s18, $0x3;
	s19 =	sadd.s32 @!p1 s19, s20;
	s20 =	sshll.u32 @!p1 s21, $0x12  }
0x2f: {  	s18 =	sadd.s32 @!p1 s18, s19;
	s19 =	sor.u32 @!p1 $0x400, s20;
	s20 =	simm.s32 @!p1 $0x4000  }
0x30: {  	[tilespmem:s17], [sflag:$0x1] =	stream.strided.gather @!p1 [hbm4b:s18+s19], $0x4000, s20, s19, $0x38;
	[tilespmem:$0x10100] =	vst v63  }
0x31: {  	p1 =	sge.u32 s31, s7  }
.Ltmp2:
0x32: {  	_ = 	snop;
	(pc) =	sbr.rel @p1 .LBB1_5-.Ltmp2, $1  }
0x33: {  	_ =	sdelay $0x3  }
0x34: {  	s17 =	simm.s32 $0x1  }
0x35: {  	_ =	swait.ge [sflag:s6], $0x4000;
	s17 =	simm.s32 @!p0 $0x0  }
0x36: {  	[sflag:s6] =	ssyncset.done $0x0;
	s18 =	sshll.u32 s17, $0xE  }
0x37: {  	[sflag:s6] =	ssyncadd.s32 $0xFFFFC000;
	s19 =	sor.u32 $0x40, s18  }
0x38: {  	s17 =	smul.u32 $0x10200, s17;
	v0 =	vld [tilespmem:s19+$0x30]  }
0x39: {  	v3 =	vld [tilespmem:s19+$0xFFFFFFD0]  }
0x3a: {  	s17 =	sshrl.u32 s17, $0x2;
	v4 =	vld [tilespmem:s19+$0xFFFFFFE0]  }
0x3b: {  	v5 =	vld [tilespmem:s19+$0xFFFFFFF0];
	s18 =	sor.u32 $0x8000, s17  }
0x3c: {  	s31 =	sand.u32 $0x1, s13;
	v1 =	vld [tilespmem:s19+$0x0];
	s20 =	sadd.s32 $0x0, s18  }
0x3d: {  	v2 =	vld [tilespmem:s19+$0x10];
	s17 =	smul.u32 $0x10200, s31;
	[tilespmem:s20+$0x3870 ss:$0x81] =	vst.msk $0xffff, v0  }
0x3e: {  	[tilespmem:s20+$0x810 ss:$0x81] =	vst.msk $0xffff, v3;
	v3 =	vld [tilespmem:s19+$0x20]  }
0x3f: {  	s17 =	sshrl.u32 s17, $0x2;
	v0 =	vld [tilespmem:s19+$0xFFFFFFC0];
	[tilespmem:s20+$0x1020 ss:$0x81] =	vst.msk $0xffff, v4;
	s19 =	sadd.s32 $0x80, s19  }
0x40: {  	s21 =	simm.s32 $0x4;
	s22 =	simm.s32 $0x8;
	s17 =	sor.u32 $0x8000, s17;
	[tilespmem:s20+$0x1830 ss:$0x81] =	vst.msk $0xffff, v5;
	v4 =	vld [tilespmem:s19+$0x30]  }
.LBB1_3:
0x41: {  	p1 =	sne.s32 s22, $0x1FC;
	v5 =	vld [tilespmem:s19+$0xFFFFFFD0];
	[tilespmem:s20+$0x2040 ss:$0x81] =	vst.msk $0xffff, v1  }
0x42: {  	v6 =	vld [tilespmem:s19+$0xFFFFFFE0];
	[tilespmem:s20+$0x2850 ss:$0x81] =	vst.msk $0xffff, v2  }
0x43: {  	s23 =	sshra.s32 s21, $0x2;
	s21 =	smov.u32 s22;
	v7 =	vld [tilespmem:s19+$0xFFFFFFF0];
	[tilespmem:s20+$0x3060 ss:$0x81] =	vst.msk $0xffff, v3  }
.Ltmp3:
0x44: {  	v1 =	vld [tilespmem:s19+$0x0];
	[tilespmem:s20+$0x0 ss:$0x81] =	vst.msk $0xffff, v0;
	s20 =	sadd.s32 s23, s18;
	(pc) =	sbr.rel @p1 .LBB1_3-.Ltmp3, $4  }
0x45: {  	v2 =	vld [tilespmem:s19+$0x10];
	[tilespmem:s20+$0x3870 ss:$0x81] =	vst.msk $0xffff, v4  }
0x46: {  	[tilespmem:s20+$0x810 ss:$0x81] =	vst.msk $0xffff, v5;
	v3 =	vld [tilespmem:s19+$0x20]  }
0x47: {  	v0 =	vld [tilespmem:s19+$0xFFFFFFC0];
	[tilespmem:s20+$0x1020 ss:$0x81] =	vst.msk $0xffff, v6;
	s19 =	sadd.s32 $0x80, s19  }
0x48: {  	s22 =	sadd.s32 $0x4, s22;
	v4 =	vld [tilespmem:s19+$0x30];
	[tilespmem:s20+$0x1830 ss:$0x81] =	vst.msk $0xffff, v7  }
.Ltmp4:
0x49: {  	_ = 	snop;
	(pc) =	sbr.rel .LBB1_4-.Ltmp4, $1  }
0x4a: {  	_ =	sdelay $0x3  }
.LBB1_6:
0x4b: {  	_ =	sfence.sel $0x180000  }
0x4c: {  	s2 =	simm.s32 $0x1;
	[bflag:$0x0] =	sbarrier.arrive $0xFFFF  }
0x4d: {  	s31 =	simm.s32 $0x2;
	[sflag:s2] =	ssyncpa.u1 $0x1  }
0x4e: {  	[sflag:s31] =	ssyncpa.u1 $0x1  }
0x4f: {  	p0 =	sne.s32 s0, $0x0;
	_ =	strace $0x90000047  }
0x50: {  	s0 =	sadd.s32 @!p0 $0x100000, s1;
	[bflag:$0x2] =	sbarrier.arrive $0xFFFF  }
0x51: {  	[sflag:s0] =	ssyncadd.tile.s32 @!p0 $0x1;
	_ =	shalt  }
.Lfunc_end1:
_tile_overlayer_lowered:
.L_overlay_start_2:
0x52: {  	(tag) =	ssettag $0x2  }
0x53: {  	s0 =	rddreg [dreg:$0x0];
	s2 =	stileid.u32  }
0x54: {  	s1 =	rddreg [dreg:$0x1];
	p0 =	sne.s32 s2, $0x0  }
0x55: {  	s3 =	rddreg [dreg:$0x2];
	[bflag:$0x3] =	sbarrier.arrive $0xFFFF;
	s2 =	simm.s32 @!p0 $0x1C01  }
0x56: {  	[timem:s3], [sflag:s2] =	dma.local @!p0 [hbm:s0], s1  }
0x57: {  	s0 =	simm.s32 @!p0 $0x1  }
0x58: {  	_ =	swait.ge @!p0 [sflag:s0], s1  }
0x59: {  	s1 =	ssub.s32 @!p0 $0x0, s1;
	[sflag:s0] =	ssyncset.done @!p0 $0x0  }
0x5a: {  	[sflag:s0] =	ssyncadd.s32 @!p0 s1  }
0x5b: {  	[bflag:$0x3] =	sbarrier.arrive $0xFFFF  }
0x5c: {  	_ =	shalt  }

// kernel: sparse-core-data-format-call.cloned.1.call-start
scs
called_computation_lowered:
.L_overlay_start_0:
0x0: {  	s1 =	sld [smem:$0x3FD9]  }
0x1: {  	s2 =	sld [smem:$0x3FFE];
	_ =	sdelay $0x1  }
0x2: {  	s3 =	srdreg.scid  }
0x3: {  	s0 =	sand.u32 $0x1, s3  }
0x4: {  	s17 =	sshll.u32 s0, $0xA;
	s1 =	sadd.s32 s2, s1  }
0x5: {  	s1 =	sadd.s32 s1, s17  }
0x6: {  	[smem:$0x3FB6] =	sst s1  }
0x7: {  	_ = 	snop  }
0x8: {  	(tm) =	ssettm $0x1  }
0x9: {  	s18 =	sld [smem:$0x3FFB];
	_ =	sdelay $0x3  }
0xa: {  	_ =	strace s18  }
0xb: {  	s1 =	sld [smem:$0x3FFC];
	_ =	sdelay $0x3  }
0xc: {  	_ =	strace s1  }
0xd: {  	s1 =	sld [smem:$0x3FFD];
	_ =	sdelay $0x3  }
0xe: {  	_ =	strace s1  }
0xf: {  	_ =	strace $0x8FFFFFFF  }
0x10: {  	s19 =	sld [smem:$0x3FDB];
	_ =	sdelay $0x1  }
0x11: {  	s20 =	simm.s32 $_scs_section_size  }
0x12: {  	s4 =	simm.s32 $_size__tile_overlayer_lowered;
	s5 =	simm.s32 $_tile_overlayer_lowered  }
0x13: {  	s23 =	simm.s32 $0x1BFF;
	s22 =	sshll.u32 s5, $0x1;
	s1 =	sadd.s32 s20, s19  }
0x14: {  	s6 =	simm.s32 $0x0;
	s21 =	sshll.u32 s4, $0x1;
	s4 =	sadd.s32 s22, s1  }
0x15: {  	[timem:s6], [sflag:s23] =	dma.local [hbm:s4], s21  }
0x16: {  	_ =	swait.ge [sflag:s23], s21  }
0x17: {  	s2 =	ssub.s32 $0x0, s21;
	[sflag:s23] =	ssyncset.done $0x0  }
0x18: {  	[sflag:s23] =	ssyncadd.s32 s2;
	_ =	sdelay $0x1  }
0x19: {  	s24 =	simm.s32 $0x1B8B  }
0x1a: {  	_ =	swait.ge [sflag:s24], $0x1  }
0x1b: {  	[sflag:s24] =	ssyncset.done $0x0  }
0x1c: {  	s26 =	simm.s32 $0x1B8E;
	s25 =	sld [smem:$0x3FFE];
	[sflag:s24] =	ssyncadd.s32 $0xFFFFFFFF  }
0x1d: {  	s27 =	simm.s32 $execute0_lowered;
	[smem:$0x3FD2] =	sst s26  }
0x1e: {  	s4 =	sshll.u32 s27, $0x1;
	_ =	strace $0x80000055;
	[dreg:$0x1] =	wrdreg $0xFFFFFFFF  }
0x1f: {  	s28 =	simm.s32 $_size_execute0_lowered;
	s1 =	sadd.s32 s1, s4;
	[dreg:$0x0] =	wrdreg $0x0  }
0x20: {  	s4 =	sshll.u32 s28, $0x1;
	[dreg:$0x2] =	wrdreg s1  }
0x21: {  	[dreg:$0x3] =	wrdreg s4  }
0x22: {  	[dreg:$0x4] =	wrdreg $0xC0  }
0x23: {  	_ =	task [dreg:s6], $0x5FFFF  }
0x24: {  	[dreg:$0x1] =	wrdreg $0xFFFFFFFF  }
0x25: {  	[dreg:$0x0] =	wrdreg $0x60  }
0x26: {  	[dreg:$0x2] =	wrdreg s25  }
0x27: {  	[dreg:$0x3] =	wrdreg $0x9  }
0x28: {  	_ =	task.clear_ibuf [dreg:s6], $0x4FFFF;
	_ =	strace $0x90000055  }
0x29: {  	s29 =	simm.s32 $0x9;
	_ =	strace $0x80000057  }
0x2a: {  	_ =	swait.ge [sflag:s29], $0x1  }
0x2b: {  	[sflag:s29] =	ssyncadd.s32 $0xFFFFFFFF  }
0x2c: {  	_ =	strace $0x90000057  }
0x2d: {  	_ =	sfence  }
0x2e: {  	s30 =	sld [smem:$0x0];
	_ =	sdelay $0x2  }
0x2f: {  	s31 =	sshll.u32 s3, $0xD;
	s3 =	sshrl.u32 s3, $0x2  }
0x30: {  	s2 =	sand.u32 $0x4000, s31;
	s1 =	sadd.s32 s3, s30  }
0x31: {  	s0 =	sor.u32 s2, s0;
	s1 =	sshll.u32 s1, $0x11  }
0x32: {  	s0 =	sor.u32 s1, s0  }
0x33: {  	s0 =	sadd.s32 $0x8F2B, s0  }
0x34: {  	[sflag:s0] =	ssyncadd.remote.s32 $0x1  }
0x35: {  	_ =	sfence.sel $0xFFFF  }
0x36: {  	[dreg:$0x0] =	wrdreg $0xFFFFFFFF;
	(pc) =	sbr.abs _section_cstart, $3  }
0x37: {  	[dreg:$0x1] =	wrdreg $0xFFFFFFFF  }
0x38: {  	_ =	task.clear_ibuf [dreg:s6], $0x2FFFF;
	_ =	strace $0x9FFFFFFF  }
0x39: {  	(tm) =	ssettm $0x7FFFFFFF  }
tec
execute0_lowered:
.L_overlay_start_1:
0x0: {  	(tag) =	ssettag $0x1  }
0x1: {  	s0 =	stileid.u32;
	s1 =	srdreg.scid  }
0x2: {  	s4 =	rddreg [dreg:$0x0];
	s2 =	sshll.u32 s0, $0x4;
	s1 =	sshll.u32 s1, $0x8  }
0x3: {  	s5 =	simm.s32 $0x1;
	s8 =	simm.s32 $0x2;
	s1 =	sor.u32 s2, s1  }
0x4: {  	s14 =	simm.s32 $0x0;
	s9 =	simm.s32 $0x4000;
	s2 =	sand.u32 $0x180, s1  }
0x5: {  	s15 =	simm.s32 $0x0;
	s16 =	simm.s32 $0x0;
	s3 =	ssub.s32 $0x800, s2  }
0x6: {  	s10 =	simm.s32 $0x0;
	s7 =	sand.u32 $0x7, s0;
	s31 =	sand.u32 $0x180, s3  }
0x7: {  	s13 =	simm.s32 $0x0;
	s12 =	smov.u32 s7;
	p0 =	sne.s32 s31, $0x0  }
.Ltmp0:
0x8: {  	s6 =	sshrl.u32 s3, $0x9;
	s5 =	simm.s32 @!p0 $0x0;
	(pc) =	sbr.rel .LBB1_1-.Ltmp0, $4  }
0x9: {  	s1 =	rddreg [dreg:$0x1];
	_ =	strace $0x80000056;
	s6 =	sadd.s32 s5, s6  }
0xa: {  	s11 =	smov.u32 s2;
	s5 =	simm.s32 $0x1;
	s6 =	smul.u32 $0x14, s6  }
0xb: {  	s3 =	sadd.s32 $0x540000, s4;
	s4 =	sadd.s32 $0x40000, s4;
	[sflag:s5] =	ssyncpa.u1 $0x0  }
0xc: {  	p0 =	por $0x0, $0x0;
	[sflag:s8] =	ssyncpa.u1 $0x0;
	s8 =	sor.u32 $0x1, s6  }
.LBB1_4:
0xd: {  	s16 =	smul.u32 $0x50000, s16  }
0xe: {  	s19 =	sshll.u32 s15, $0x3;
	s20 =	sand.u32 $0x78, s15;
	s30 =	sand.u32 $0x3F00, s15  }
0xf: {  	s14 =	sshll.u32 s14, $0xE;
	s19 =	sand.u32 $0x400, s19;
	s16 =	sadd.s32 s4, s16  }
0x10: {  	[tilespmem:s18+$0x810 ss:$0x81] =	vst.msk $0xffff, v2;
	s31 =	sand.u32 $0x7, s15;
	s19 =	sor.u32 s20, s19;
	s16 =	sadd.s32 s30, s16  }
0x11: {  	[tilespmem:s18+$0x1020 ss:$0x81] =	vst.msk $0xffff, v0;
	s15 =	sshll.u32 s31, $0x12;
	s19 =	sshrl.u32 s19, $0x3;
	s14 =	sadd.s32 s14, s16  }
0x12: {  	[tilespmem:s18+$0x0 ss:$0x81] =	vst.msk $0xffff, v1;
	s15 =	sor.u32 $0x400, s15;
	s14 =	sadd.s32 s19, s14  }
0x13: {  	[hbm4b:s14+s15] =	stream.strided.scatter [tilespmem:s17], [sflag:$0x2], $0x2000, s9, s15, $0x20;
	[tilespmem:$0x8080] =	vst v63  }
.LBB1_5:
0x14: {  	s17 =	sadd.s32 $0x1, s10  }
0x15: {  	s14 =	sadd.s32 $0x200, s11;
	s18 =	smov.u32 s11;
	p2 =	sgt.s32 s17, $0x13  }
0x16: {  	s18 =	smov.u32 @p2 s14  }
0x17: {  	s20 =	smov.u32 s12;
	s14 =	sadd.s32 $0x8, s12;
	p3 =	sgt.s32 s18, $0x7FF  }
0x18: {  	s20 =	smov.u32 @p3 s14  }
0x19: {  	s17 =	simm.s32 @p2 $0x0;
	p2 =	sgt.s32 s20, $0x7  }
0x1a: {  	p1 =	slt.u32 s13, $0x2;
	s20 =	smov.u32 @p2 s7;
	p2 =	sne.s32 s13, s8  }
.Ltmp1:
0x1b: {  	s19 =	simm.s32 @!p1 $0x2;
	(pc) =	sbr.rel @!p2 .LBB1_6-.Ltmp1, $4  }
0x1c: {  	s15 =	smov.u32 s11;
	s16 =	smov.u32 s12;
	_ =	swait.ge @!p1 [sflag:s19], $0x2000  }
0x1d: {  	p0 =	por !p0, !p0;
	[sflag:s19] =	ssyncset.done @!p1 $0x0;
	s18 =	smov.u32 @p3 s2  }
0x1e: {  	s14 =	smov.u32 s10;
	[sflag:s19] =	ssyncadd.s32 @!p1 $0xFFFFE000;
	s10 =	smov.u32 s17  }
0x1f: {  	s11 =	smov.u32 s18;
	s13 =	sadd.s32 $0x1, s13;
	s12 =	smov.u32 s20  }
.LBB1_1:
0x20: {  	p1 =	sge.u32 s13, s6  }
0x21: {  	s17 =	sand.u32 @!p1 $0x1FFFFFF, s10;
	s19 =	smul.u32 @!p1 $0xC0000, s12  }
0x22: {  	s18 =	smulhi.u32 @!p1 $0xAAAAAAB, s17  }
0x23: {  	s21 =	smul.u32 @!p1 $0x180, s11  }
0x24: {  	s18 =	smul.u32 @!p1 $0x18, s18  }
0x25: {  	s31 =	sadd.s32 $0xFFFFFFFF, s13;
	s19 =	sadd.s32 @!p1 s3, s19  }
0x26: {  	s20 =	sxor.u32 @!p1 $0xFFFFFFFF, s13;
	s19 =	sadd.s32 @!p1 s21, s19;
	s17 =	ssub.s32 @!p1 s17, s18  }
0x27: {  	s18 =	sshll.u32 @!p1 s20, $0xD;
	s20 =	simm.s32 @!p1 $0xC00;
	s17 =	sshll.u32 @!p1 s17, $0x4  }
0x28: {  	s18 =	sand.u32 @!p1 $0x2000, s18;
	s17 =	sadd.s32 @!p1 s17, s19;
	s19 =	simm.s32 @!p1 $0x40  }
0x29: {  	[tilespmem:s18], [sflag:$0x1] =	stream.strided.gather @!p1 [hbm4b:s17+s19], $0x2000, s20, s19, $0x38;
	[tilespmem:$0x8080] =	vst v63  }
0x2a: {  	p1 =	sge.u32 s31, s6  }
.Ltmp2:
0x2b: {  	_ = 	snop;
	(pc) =	sbr.rel @p1 .LBB1_5-.Ltmp2, $1  }
0x2c: {  	_ =	sdelay $0x3  }
0x2d: {  	s17 =	simm.s32 $0x1  }
0x2e: {  	_ =	swait.ge [sflag:s5], $0x2000;
	s17 =	simm.s32 @!p0 $0x0  }
0x2f: {  	[sflag:s5] =	ssyncset.done $0x0;
	s18 =	sshll.u32 s17, $0xD  }
0x30: {  	[sflag:s5] =	ssyncadd.s32 $0xFFFFE000;
	s21 =	sor.u32 $0x20, s18  }
0x31: {  	s17 =	smul.u32 $0x8100, s17;
	v3 =	vld [tilespmem:s21+$0x10]  }
0x32: {  	s30 =	sand.u32 $0x1, s13;
	v2 =	vld [tilespmem:s21+$0xFFFFFFF0]  }
0x33: {  	s18 =	smul.u32 $0x8100, s30;
	s17 =	sshrl.u32 s17, $0x2;
	v0 =	vld [tilespmem:s21+$0x0]  }
0x34: {  	v1 =	vld [tilespmem:s21+$0xFFFFFFE0];
	s19 =	sor.u32 $0x4000, s17  }
0x35: {  	s31 =	sshrl.u32 s18, $0x2;
	s18 =	sadd.s32 $0x0, s19  }
0x36: {  	s20 =	simm.s32 $0x4;
	s21 =	sadd.s32 $0x40, s21;
	s17 =	sor.u32 $0x4000, s31;
	[tilespmem:s18+$0x1830 ss:$0x81] =	vst.msk $0xffff, v3  }
.LBB1_3:
0x37: {  	v3 =	vld [tilespmem:s21+$0x10];
	p1 =	sne.s32 s20, $0x1FC;
	[tilespmem:s18+$0x810 ss:$0x81] =	vst.msk $0xffff, v2;
	s22 =	smov.u32 s20;
	s20 =	sadd.s32 $0x4, s20  }
.Ltmp3:
0x38: {  	v2 =	vld [tilespmem:s21+$0xFFFFFFF0];
	[tilespmem:s18+$0x1020 ss:$0x81] =	vst.msk $0xffff, v0;
	(pc) =	sbr.rel @p1 .LBB1_3-.Ltmp3, $4  }
0x39: {  	v0 =	vld [tilespmem:s21+$0x0];
	[tilespmem:s18+$0x0 ss:$0x81] =	vst.msk $0xffff, v1  }
0x3a: {  	s18 =	sshra.s32 s22, $0x2;
	v1 =	vld [tilespmem:s21+$0xFFFFFFE0]  }
0x3b: {  	s18 =	sadd.s32 s18, s19  }
0x3c: {  	s21 =	sadd.s32 $0x40, s21;
	[tilespmem:s18+$0x1830 ss:$0x81] =	vst.msk $0xffff, v3  }
.Ltmp4:
0x3d: {  	_ = 	snop;
	(pc) =	sbr.rel .LBB1_4-.Ltmp4, $1  }
0x3e: {  	_ =	sdelay $0x3  }
.LBB1_6:
0x3f: {  	_ =	sfence.sel $0x180000  }
0x40: {  	s2 =	simm.s32 $0x1;
	[bflag:$0x0] =	sbarrier.arrive $0xFFFF  }
0x41: {  	s31 =	simm.s32 $0x2;
	[sflag:s2] =	ssyncpa.u1 $0x1  }
0x42: {  	[sflag:s31] =	ssyncpa.u1 $0x1  }
0x43: {  	p0 =	sne.s32 s0, $0x0;
	_ =	strace $0x90000056  }
0x44: {  	s0 =	sadd.s32 @!p0 $0x100000, s1;
	[bflag:$0x2] =	sbarrier.arrive $0xFFFF  }
0x45: {  	[sflag:s0] =	ssyncadd.tile.s32 @!p0 $0x1;
	_ =	shalt  }
.Lfunc_end1:
_tile_overlayer_lowered:
.L_overlay_start_2:
0x46: {  	(tag) =	ssettag $0x2  }
0x47: {  	s0 =	rddreg [dreg:$0x0];
	s2 =	stileid.u32  }
0x48: {  	s1 =	rddreg [dreg:$0x1];
	p0 =	sne.s32 s2, $0x0  }
0x49: {  	s3 =	rddreg [dreg:$0x2];
	[bflag:$0x3] =	sbarrier.arrive $0xFFFF;
	s2 =	simm.s32 @!p0 $0x1C01  }
0x4a: {  	[timem:s3], [sflag:s2] =	dma.local @!p0 [hbm:s0], s1  }
0x4b: {  	s0 =	simm.s32 @!p0 $0x1  }
0x4c: {  	_ =	swait.ge @!p0 [sflag:s0], s1  }
0x4d: {  	s1 =	ssub.s32 @!p0 $0x0, s1;
	[sflag:s0] =	ssyncset.done @!p0 $0x0  }
0x4e: {  	[sflag:s0] =	ssyncadd.s32 @!p0 s1  }
0x4f: {  	[bflag:$0x3] =	sbarrier.arrive $0xFFFF  }
0x50: {  	_ =	shalt  }

</sc_bundles>
